<compile_context>
chip_gen: v7x
topology: tpu7x:2x2x1
jax: 0.10.2.dev20260603
libtpu: 0.0.44.dev20260713+nightly
codegen_flags: <defaults>
</compile_context>

<pallas_src>
import functools

import jax
import jax.numpy as jnp
from jax import lax
from jax.experimental import pallas as pl
from jax.experimental.pallas import tpu as pltpu
from jax.experimental.pallas import tpu_sc as plsc

N_NODES = 10000
D = 128
DH = D // 2
N_EDGES = 320000
NC = 2
NS = 16
L = 16
CH = 128
NBUF = 4
NIB = 8
NCHUNK = 160
EPT = NCHUNK * CH
E_PAD = NS * EPT
P = 10112
RPT = P // NS
XS = 632
XL = N_NODES - 15 * XS


def _sc_scatter(x, e3, zeros2, zeros1):
    mesh = plsc.VectorSubcoreMesh(core_axis_name="c", subcore_axis_name="s")

    @functools.partial(
        pl.kernel,
        mesh=mesh,
        out_type=[
            jax.ShapeDtypeStruct((NC, P, DH), jnp.float32),
            jax.ShapeDtypeStruct((NS, P), jnp.float32),
        ],
        scratch_types=[
            pltpu.VMEM_SHARED((P, DH), jnp.float32),
            pltpu.VMEM_SHARED((N_NODES, DH), jnp.float32),
            pltpu.VMEM((P,), jnp.float32),
        ] + [pltpu.VMEM((2, CH), jnp.int32)] * NIB
          + [pltpu.VMEM((CH, DH), jnp.float32)] * NBUF
          + [pltpu.SemaphoreType.DMA] * (NIB + 2 * NBUF),
        compiler_params=pltpu.CompilerParams(
            needs_layout_passes=False, use_tc_tiling_on_sc=False),
    )
    def k(x_hbm, e_hbm, z2_hbm, z1_hbm, psum_hbm, degs_hbm,
          acc, xsp, degb, *bufs):
        idxbs = bufs[:NIB]
        rowbs = bufs[NIB:NIB + NBUF]
        isems = bufs[NIB + NBUF:2 * NIB + NBUF]
        gsems = bufs[2 * NIB + NBUF:2 * NIB + NBUF + NBUF]
        ssems = bufs[2 * NIB + NBUF + NBUF:]
        c = lax.axis_index("c")
        s = lax.axis_index("s")

        for i in range(NIB):
            pltpu.async_copy(e_hbm.at[s, i], idxbs[i], isems[i])
        @pl.when(s < NS - 1)
        def _stage():
            pltpu.sync_copy(
                x_hbm.at[pl.ds(s * XS, XS), pl.ds(c * DH, DH)],
                xsp.at[pl.ds(s * XS, XS)])

        @pl.when(s == NS - 1)
        def _stage_last():
            pltpu.sync_copy(
                x_hbm.at[pl.ds((NS - 1) * XS, XL), pl.ds(c * DH, DH)],
                xsp.at[pl.ds((NS - 1) * XS, XL)])

        pltpu.sync_copy(z2_hbm.at[pl.ds(s * RPT, RPT)],
                        acc.at[pl.ds(s * RPT, RPT)])

        @pl.when(c == 0)
        def _zero_hist():
            pltpu.sync_copy(z1_hbm, degb)

        plsc.subcore_barrier()
        for b in range(2):
            pltpu.make_async_copy(e_hbm.at[s, b], idxbs[b], isems[b]).wait()
            pltpu.async_copy(xsp.at[idxbs[b].at[0]], rowbs[b], gsems[b])

        ones = jnp.full((L,), 1.0, jnp.float32)

        def group(go, carry):
            for i in range(NIB):
                g = go * NIB + i
                b = i % NBUF
                pltpu.make_async_copy(
                    xsp.at[pl.ds(0, CH)], rowbs[b], gsems[b]).wait()
                pltpu.async_copy(
                    rowbs[b], acc.at[idxbs[i].at[1]], ssems[b], add=True)

                @pl.when(c == 0)
                def _degrees():
                    for j in range(CH // L):
                        idx = idxbs[i][1, pl.ds(j * L, L)]
                        plsc.addupdate_scatter(degb, [idx], ones)

                b2 = (i + 2) % NBUF
                s2 = (i + 2) % NIB
                s6 = (i + 6) % NIB

                @pl.when(g >= 2)
                def _wait_scat():
                    pltpu.make_async_copy(
                        rowbs[b2], acc.at[idxbs[s6].at[1]], ssems[b2]).wait()

                @pl.when(g < NCHUNK - 2)
                def _fire_gather():
                    pltpu.make_async_copy(
                        e_hbm.at[s, 0], idxbs[s2], isems[s2]).wait()
                    pltpu.async_copy(
                        xsp.at[idxbs[s2].at[0]], rowbs[b2], gsems[b2])

                @pl.when(jnp.logical_and(g >= 2, g <= NCHUNK - 7))
                def _refill_idx():
                    pltpu.async_copy(e_hbm.at[s, g + 6], idxbs[s6], isems[s6])
            return carry

        lax.fori_loop(0, NCHUNK // NIB, group, 0)
        for g in (NCHUNK - 2, NCHUNK - 1):
            pltpu.make_async_copy(
                rowbs[g % NBUF], acc.at[idxbs[g % NIB].at[1]],
                ssems[g % NBUF]).wait()
        plsc.subcore_barrier()
        pltpu.sync_copy(acc.at[pl.ds(s * RPT, RPT)],
                        psum_hbm.at[c, pl.ds(s * RPT, RPT)])

        @pl.when(c == 0)
        def _export_hist():
            pltpu.sync_copy(degb, degs_hbm.at[s])

    return k(x, e3, zeros2, zeros1)


BR = 128


def _combine(psum, degs):
    def body(p_ref, d_ref, o_ref):
        p = p_ref[...]
        d = jnp.sum(d_ref[...], axis=0)
        o_ref[...] = jnp.concatenate([p[0], p[1]], axis=1) / jnp.maximum(
            d, 1.0)[:, None]

    return pl.pallas_call(
        body,
        grid=(P // BR,),
        in_specs=[
            pl.BlockSpec((NC, BR, DH), lambda i: (0, i, 0)),
            pl.BlockSpec((NS, BR), lambda i: (0, i)),
        ],
        out_specs=pl.BlockSpec((BR, D), lambda i: (i, 0)),
        out_shape=jax.ShapeDtypeStruct((P, D), jnp.float32),
    )(psum, degs)


def kernel(x, edge_index):
    ei = edge_index.astype(jnp.int32)
    pad = E_PAD - N_EDGES
    src = jnp.pad(ei[0], (0, pad)).reshape(NS, NCHUNK, 1, CH)
    dst = jnp.pad(ei[1], (0, pad), constant_values=N_NODES).reshape(NS, NCHUNK, 1, CH)
    e3 = jnp.concatenate([src, dst], axis=2)
    zeros2 = jnp.zeros((P, DH), jnp.float32)
    zeros1 = jnp.zeros((P,), jnp.float32)
    psum, degs = _sc_scatter(x, e3, zeros2, zeros1)
    return _combine(psum, degs)[:N_NODES]

# --- scband reference (transcript-rebuilt; emitter-appended) ---
"""Pipeline reference for scband-sageconv-agg-18580028522747 (READ-ONLY COPY).

The authoritative reference and input builder live on the scoring server;
editing this copy changes nothing except your own understanding.
"""

import jax, jax.numpy as jnp
import numpy as np


def setup_inputs(seed: int = 0) -> dict:
    key = jax.random.key(seed)
    k1, k2 = jax.random.split(key)
    n_nodes = 10000
    n_edges = 320000
    d_feat = 128
    x = jax.random.normal(k1, (n_nodes, d_feat), dtype=jnp.float32)
    edge_index = jax.random.randint(k2, (2, n_edges), 0, n_nodes, dtype=jnp.int64)
    return {"x": x, "edge_index": edge_index}


def reference(x, edge_index):
    # SAGEConvAgg with aggregator_type='mean':
    # graph.update_all(fn.copy_src('h','m'), fn.mean('m','neigh'))
    # i.e. for each dst node, mean of its in-neighbor source features.
    # The distributed broad_func broadcast + all_reduce collapses to a
    # single gather + segment-sum on one device.
    n_nodes = x.shape[0]
    src = edge_index[0]
    dst = edge_index[1]
    messages = jnp.take(x, src, axis=0)                      # gather: copy_src
    summed = jax.ops.segment_sum(messages, dst, num_segments=n_nodes)  # scatter-add
    deg = jax.ops.segment_sum(jnp.ones((src.shape[0],), dtype=x.dtype), dst,
                              num_segments=n_nodes)
    # DGL mean over mailbox; zero in-degree dst nodes get 0 (avoid div by 0)
    denom = jnp.maximum(deg, 1.0)
    h_neigh = summed / denom[:, None]
    return h_neigh

if __name__ == "__main__":
    import jax
    _d = setup_inputs()
    print(jax.jit(kernel)(*tuple(_d.values())))

</pallas_src>

<mosaic_0001>
#map = affine_map<(d0, d1) -> (0, 0)>
#map1 = affine_map<(d0, d1) -> (0, 0, 0, 0)>
#map2 = affine_map<(d0, d1) -> (0)>
#map3 = affine_map<(d0, d1) -> (0, 0, 0)>
module attributes {stable_mosaic.version = 14 : i64} {
  func.func @k(%arg0: i32, %arg1: i32, %arg2: memref<10000x128xf32, #tpu.memory_space<hbm>>, %arg3: memref<16x160x2x128xi32, #tpu.memory_space<hbm>>, %arg4: memref<10112x64xf32, #tpu.memory_space<hbm>>, %arg5: memref<10112xf32, #tpu.memory_space<hbm>>, %arg6: memref<2x10112x64xf32, #tpu.memory_space<hbm>>, %arg7: memref<16x10112xf32, #tpu.memory_space<hbm>>, %arg8: memref<10112x64xf32, #tpu.memory_space<vmem_shared>>, %arg9: memref<10000x64xf32, #tpu.memory_space<vmem_shared>>, %arg10: memref<10112xf32, #tpu.memory_space<vmem>>, %arg11: memref<2x128xi32, #tpu.memory_space<vmem>>, %arg12: memref<2x128xi32, #tpu.memory_space<vmem>>, %arg13: memref<2x128xi32, #tpu.memory_space<vmem>>, %arg14: memref<2x128xi32, #tpu.memory_space<vmem>>, %arg15: memref<2x128xi32, #tpu.memory_space<vmem>>, %arg16: memref<2x128xi32, #tpu.memory_space<vmem>>, %arg17: memref<2x128xi32, #tpu.memory_space<vmem>>, %arg18: memref<2x128xi32, #tpu.memory_space<vmem>>, %arg19: memref<128x64xf32, #tpu.memory_space<vmem>>, %arg20: memref<128x64xf32, #tpu.memory_space<vmem>>, %arg21: memref<128x64xf32, #tpu.memory_space<vmem>>, %arg22: memref<128x64xf32, #tpu.memory_space<vmem>>, %arg23: memref<!tpu.dma_semaphore, #tpu.memory_space<semaphore_mem>>, %arg24: memref<!tpu.dma_semaphore, #tpu.memory_space<semaphore_mem>>, %arg25: memref<!tpu.dma_semaphore, #tpu.memory_space<semaphore_mem>>, %arg26: memref<!tpu.dma_semaphore, #tpu.memory_space<semaphore_mem>>, %arg27: memref<!tpu.dma_semaphore, #tpu.memory_space<semaphore_mem>>, %arg28: memref<!tpu.dma_semaphore, #tpu.memory_space<semaphore_mem>>, %arg29: memref<!tpu.dma_semaphore, #tpu.memory_space<semaphore_mem>>, %arg30: memref<!tpu.dma_semaphore, #tpu.memory_space<semaphore_mem>>, %arg31: memref<!tpu.dma_semaphore, #tpu.memory_space<semaphore_mem>>, %arg32: memref<!tpu.dma_semaphore, #tpu.memory_space<semaphore_mem>>, %arg33: memref<!tpu.dma_semaphore, #tpu.memory_space<semaphore_mem>>, %arg34: memref<!tpu.dma_semaphore, #tpu.memory_space<semaphore_mem>>, %arg35: memref<!tpu.dma_semaphore, #tpu.memory_space<semaphore_mem>>, %arg36: memref<!tpu.dma_semaphore, #tpu.memory_space<semaphore_mem>>, %arg37: memref<!tpu.dma_semaphore, #tpu.memory_space<semaphore_mem>>, %arg38: memref<!tpu.dma_semaphore, #tpu.memory_space<semaphore_mem>>) attributes {dimension_semantics = [#tpu.dimension_semantics<core_parallel>, #tpu.dimension_semantics<subcore_parallel>], iteration_bounds = array<i64: 2, 16>, scalar_prefetch = 0 : i64, scratch_operands = 31 : i64, tpu.core_type = #tpu.core_type<sc_vector_subcore>, window_params = [{transform_indices = #map}, {transform_indices = #map1}, {transform_indices = #map}, {transform_indices = #map2}, {transform_indices = #map3}, {transform_indices = #map}]} {
    %dma_start3A = arith.constant 0 : i32
    %dma_start3A_0 = arith.constant 0 : i32
    %dma_start3A_1 = arith.constant 0 : i32
    %dma_start3A_2 = tpu.memref_slice %arg3[%arg1, %dma_start3A, %dma_start3A_0, %dma_start3A_1] : memref<16x160x2x128xi32, #tpu.memory_space<hbm>> -> memref<1x1x2x128xi32, #tpu.memory_space<hbm>>
    %dma_start3A_3 = tpu.memref_squeeze %dma_start3A_2 : memref<1x1x2x128xi32, #tpu.memory_space<hbm>> -> memref<2x128xi32, #tpu.memory_space<hbm>>
    %dma_start3A_4 = arith.constant 0 : i32
    %dma_start3A_5 = arith.constant 0 : i32
    %dma_start3A_6 = tpu.memref_slice %arg3[%arg1, %dma_start3A, %dma_start3A_4, %dma_start3A_5] : memref<16x160x2x128xi32, #tpu.memory_space<hbm>> -> memref<1x1x2x128xi32, #tpu.memory_space<hbm>>
    %dma_start3A_7 = tpu.memref_squeeze %dma_start3A_6 : memref<1x1x2x128xi32, #tpu.memory_space<hbm>> -> memref<2x128xi32, #tpu.memory_space<hbm>>
    tpu.enqueue_dma source(%dma_start3A_7 : memref<2x128xi32, #tpu.memory_space<hbm>>) target(%arg11 : memref<2x128xi32, #tpu.memory_space<vmem>>) target_semaphore(%arg23 : memref<!tpu.dma_semaphore, #tpu.memory_space<semaphore_mem>>)
    %dma_start3A_8 = arith.constant 1 : i32
    %dma_start3A_9 = arith.constant 0 : i32
    %dma_start3A_10 = arith.constant 0 : i32
    %dma_start3A_11 = tpu.memref_slice %arg3[%arg1, %dma_start3A_8, %dma_start3A_9, %dma_start3A_10] : memref<16x160x2x128xi32, #tpu.memory_space<hbm>> -> memref<1x1x2x128xi32, #tpu.memory_space<hbm>>
    %dma_start3A_12 = tpu.memref_squeeze %dma_start3A_11 : memref<1x1x2x128xi32, #tpu.memory_space<hbm>> -> memref<2x128xi32, #tpu.memory_space<hbm>>
    %dma_start3A_13 = arith.constant 0 : i32
    %dma_start3A_14 = arith.constant 0 : i32
    %dma_start3A_15 = tpu.memref_slice %arg3[%arg1, %dma_start3A_8, %dma_start3A_13, %dma_start3A_14] : memref<16x160x2x128xi32, #tpu.memory_space<hbm>> -> memref<1x1x2x128xi32, #tpu.memory_space<hbm>>
    %dma_start3A_16 = tpu.memref_squeeze %dma_start3A_15 : memref<1x1x2x128xi32, #tpu.memory_space<hbm>> -> memref<2x128xi32, #tpu.memory_space<hbm>>
    tpu.enqueue_dma source(%dma_start3A_16 : memref<2x128xi32, #tpu.memory_space<hbm>>) target(%arg12 : memref<2x128xi32, #tpu.memory_space<vmem>>) target_semaphore(%arg24 : memref<!tpu.dma_semaphore, #tpu.memory_space<semaphore_mem>>)
    %dma_start3A_17 = arith.constant 2 : i32
    %dma_start3A_18 = arith.constant 0 : i32
    %dma_start3A_19 = arith.constant 0 : i32
    %dma_start3A_20 = tpu.memref_slice %arg3[%arg1, %dma_start3A_17, %dma_start3A_18, %dma_start3A_19] : memref<16x160x2x128xi32, #tpu.memory_space<hbm>> -> memref<1x1x2x128xi32, #tpu.memory_space<hbm>>
    %dma_start3A_21 = tpu.memref_squeeze %dma_start3A_20 : memref<1x1x2x128xi32, #tpu.memory_space<hbm>> -> memref<2x128xi32, #tpu.memory_space<hbm>>
    %dma_start3A_22 = arith.constant 0 : i32
    %dma_start3A_23 = arith.constant 0 : i32
    %dma_start3A_24 = tpu.memref_slice %arg3[%arg1, %dma_start3A_17, %dma_start3A_22, %dma_start3A_23] : memref<16x160x2x128xi32, #tpu.memory_space<hbm>> -> memref<1x1x2x128xi32, #tpu.memory_space<hbm>>
    %dma_start3A_25 = tpu.memref_squeeze %dma_start3A_24 : memref<1x1x2x128xi32, #tpu.memory_space<hbm>> -> memref<2x128xi32, #tpu.memory_space<hbm>>
    tpu.enqueue_dma source(%dma_start3A_25 : memref<2x128xi32, #tpu.memory_space<hbm>>) target(%arg13 : memref<2x128xi32, #tpu.memory_space<vmem>>) target_semaphore(%arg25 : memref<!tpu.dma_semaphore, #tpu.memory_space<semaphore_mem>>)
    %dma_start3A_26 = arith.constant 3 : i32
    %dma_start3A_27 = arith.constant 0 : i32
    %dma_start3A_28 = arith.constant 0 : i32
    %dma_start3A_29 = tpu.memref_slice %arg3[%arg1, %dma_start3A_26, %dma_start3A_27, %dma_start3A_28] : memref<16x160x2x128xi32, #tpu.memory_space<hbm>> -> memref<1x1x2x128xi32, #tpu.memory_space<hbm>>
    %dma_start3A_30 = tpu.memref_squeeze %dma_start3A_29 : memref<1x1x2x128xi32, #tpu.memory_space<hbm>> -> memref<2x128xi32, #tpu.memory_space<hbm>>
    %dma_start3A_31 = arith.constant 0 : i32
    %dma_start3A_32 = arith.constant 0 : i32
    %dma_start3A_33 = tpu.memref_slice %arg3[%arg1, %dma_start3A_26, %dma_start3A_31, %dma_start3A_32] : memref<16x160x2x128xi32, #tpu.memory_space<hbm>> -> memref<1x1x2x128xi32, #tpu.memory_space<hbm>>
    %dma_start3A_34 = tpu.memref_squeeze %dma_start3A_33 : memref<1x1x2x128xi32, #tpu.memory_space<hbm>> -> memref<2x128xi32, #tpu.memory_space<hbm>>
    tpu.enqueue_dma source(%dma_start3A_34 : memref<2x128xi32, #tpu.memory_space<hbm>>) target(%arg14 : memref<2x128xi32, #tpu.memory_space<vmem>>) target_semaphore(%arg26 : memref<!tpu.dma_semaphore, #tpu.memory_space<semaphore_mem>>)
    %dma_start3A_35 = arith.constant 4 : i32
    %dma_start3A_36 = arith.constant 0 : i32
    %dma_start3A_37 = arith.constant 0 : i32
    %dma_start3A_38 = tpu.memref_slice %arg3[%arg1, %dma_start3A_35, %dma_start3A_36, %dma_start3A_37] : memref<16x160x2x128xi32, #tpu.memory_space<hbm>> -> memref<1x1x2x128xi32, #tpu.memory_space<hbm>>
    %dma_start3A_39 = tpu.memref_squeeze %dma_start3A_38 : memref<1x1x2x128xi32, #tpu.memory_space<hbm>> -> memref<2x128xi32, #tpu.memory_space<hbm>>
    %dma_start3A_40 = arith.constant 0 : i32
    %dma_start3A_41 = arith.constant 0 : i32
    %dma_start3A_42 = tpu.memref_slice %arg3[%arg1, %dma_start3A_35, %dma_start3A_40, %dma_start3A_41] : memref<16x160x2x128xi32, #tpu.memory_space<hbm>> -> memref<1x1x2x128xi32, #tpu.memory_space<hbm>>
    %dma_start3A_43 = tpu.memref_squeeze %dma_start3A_42 : memref<1x1x2x128xi32, #tpu.memory_space<hbm>> -> memref<2x128xi32, #tpu.memory_space<hbm>>
    tpu.enqueue_dma source(%dma_start3A_43 : memref<2x128xi32, #tpu.memory_space<hbm>>) target(%arg15 : memref<2x128xi32, #tpu.memory_space<vmem>>) target_semaphore(%arg27 : memref<!tpu.dma_semaphore, #tpu.memory_space<semaphore_mem>>)
    %dma_start3A_44 = arith.constant 5 : i32
    %dma_start3A_45 = arith.constant 0 : i32
    %dma_start3A_46 = arith.constant 0 : i32
    %dma_start3A_47 = tpu.memref_slice %arg3[%arg1, %dma_start3A_44, %dma_start3A_45, %dma_start3A_46] : memref<16x160x2x128xi32, #tpu.memory_space<hbm>> -> memref<1x1x2x128xi32, #tpu.memory_space<hbm>>
    %dma_start3A_48 = tpu.memref_squeeze %dma_start3A_47 : memref<1x1x2x128xi32, #tpu.memory_space<hbm>> -> memref<2x128xi32, #tpu.memory_space<hbm>>
    %dma_start3A_49 = arith.constant 0 : i32
    %dma_start3A_50 = arith.constant 0 : i32
    %dma_start3A_51 = tpu.memref_slice %arg3[%arg1, %dma_start3A_44, %dma_start3A_49, %dma_start3A_50] : memref<16x160x2x128xi32, #tpu.memory_space<hbm>> -> memref<1x1x2x128xi32, #tpu.memory_space<hbm>>
    %dma_start3A_52 = tpu.memref_squeeze %dma_start3A_51 : memref<1x1x2x128xi32, #tpu.memory_space<hbm>> -> memref<2x128xi32, #tpu.memory_space<hbm>>
    tpu.enqueue_dma source(%dma_start3A_52 : memref<2x128xi32, #tpu.memory_space<hbm>>) target(%arg16 : memref<2x128xi32, #tpu.memory_space<vmem>>) target_semaphore(%arg28 : memref<!tpu.dma_semaphore, #tpu.memory_space<semaphore_mem>>)
    %dma_start3A_53 = arith.constant 6 : i32
    %dma_start3A_54 = arith.constant 0 : i32
    %dma_start3A_55 = arith.constant 0 : i32
    %dma_start3A_56 = tpu.memref_slice %arg3[%arg1, %dma_start3A_53, %dma_start3A_54, %dma_start3A_55] : memref<16x160x2x128xi32, #tpu.memory_space<hbm>> -> memref<1x1x2x128xi32, #tpu.memory_space<hbm>>
    %dma_start3A_57 = tpu.memref_squeeze %dma_start3A_56 : memref<1x1x2x128xi32, #tpu.memory_space<hbm>> -> memref<2x128xi32, #tpu.memory_space<hbm>>
    %dma_start3A_58 = arith.constant 0 : i32
    %dma_start3A_59 = arith.constant 0 : i32
    %dma_start3A_60 = tpu.memref_slice %arg3[%arg1, %dma_start3A_53, %dma_start3A_58, %dma_start3A_59] : memref<16x160x2x128xi32, #tpu.memory_space<hbm>> -> memref<1x1x2x128xi32, #tpu.memory_space<hbm>>
    %dma_start3A_61 = tpu.memref_squeeze %dma_start3A_60 : memref<1x1x2x128xi32, #tpu.memory_space<hbm>> -> memref<2x128xi32, #tpu.memory_space<hbm>>
    tpu.enqueue_dma source(%dma_start3A_61 : memref<2x128xi32, #tpu.memory_space<hbm>>) target(%arg17 : memref<2x128xi32, #tpu.memory_space<vmem>>) target_semaphore(%arg29 : memref<!tpu.dma_semaphore, #tpu.memory_space<semaphore_mem>>)
    %dma_start3A_62 = arith.constant 7 : i32
    %dma_start3A_63 = arith.constant 0 : i32
    %dma_start3A_64 = arith.constant 0 : i32
    %dma_start3A_65 = tpu.memref_slice %arg3[%arg1, %dma_start3A_62, %dma_start3A_63, %dma_start3A_64] : memref<16x160x2x128xi32, #tpu.memory_space<hbm>> -> memref<1x1x2x128xi32, #tpu.memory_space<hbm>>
    %dma_start3A_66 = tpu.memref_squeeze %dma_start3A_65 : memref<1x1x2x128xi32, #tpu.memory_space<hbm>> -> memref<2x128xi32, #tpu.memory_space<hbm>>
    %dma_start3A_67 = arith.constant 0 : i32
    %dma_start3A_68 = arith.constant 0 : i32
    %dma_start3A_69 = tpu.memref_slice %arg3[%arg1, %dma_start3A_62, %dma_start3A_67, %dma_start3A_68] : memref<16x160x2x128xi32, #tpu.memory_space<hbm>> -> memref<1x1x2x128xi32, #tpu.memory_space<hbm>>
    %dma_start3A_70 = tpu.memref_squeeze %dma_start3A_69 : memref<1x1x2x128xi32, #tpu.memory_space<hbm>> -> memref<2x128xi32, #tpu.memory_space<hbm>>
    tpu.enqueue_dma source(%dma_start3A_70 : memref<2x128xi32, #tpu.memory_space<hbm>>) target(%arg18 : memref<2x128xi32, #tpu.memory_space<vmem>>) target_semaphore(%arg30 : memref<!tpu.dma_semaphore, #tpu.memory_space<semaphore_mem>>)
    %lt3A = arith.constant 15 : i32
    %lt3A_71 = arith.cmpi slt, %arg1, %lt3A : i32
    %convert_element_type3A = arith.extui %lt3A_71 : i1 to i32
    %cond3A = arith.constant 0 : i32
    %cond3A_72 = arith.cmpi ne, %convert_element_type3A, %cond3A : i32
    scf.if %cond3A_72 {
      %mul3A_146 = arith.constant 632 : i32
      %mul3A_147 = arith.muli %arg1, %mul3A_146 : i32
      %mul3A_148 = arith.constant 64 : i32
      %mul3A_149 = arith.muli %arg0, %mul3A_148 : i32
      %mul3A_150 = arith.constant 632 : i32
      %mul3A_151 = arith.muli %arg1, %mul3A_150 : i32
      "tpu.region"() ({
        %run_scoped3A = tpu.sem_alloc : memref<!tpu.dma_semaphore, #tpu.memory_space<semaphore_mem>>
        %dma_start3A_152 = arith.constant 0 : i32
        %dma_start3A_153 = tpu.memref_slice %arg9[%mul3A_151, %dma_start3A_152] : memref<10000x64xf32, #tpu.memory_space<vmem_shared>> -> memref<632x64xf32, #tpu.memory_space<vmem_shared>>
        %dma_start3A_154 = tpu.memref_slice %arg2[%mul3A_147, %mul3A_149] : memref<10000x128xf32, #tpu.memory_space<hbm>> -> memref<632x64xf32, #tpu.memory_space<hbm>>
        tpu.enqueue_dma source(%dma_start3A_154 : memref<632x64xf32, #tpu.memory_space<hbm>>) target(%dma_start3A_153 : memref<632x64xf32, #tpu.memory_space<vmem_shared>>) target_semaphore(%run_scoped3A : memref<!tpu.dma_semaphore, #tpu.memory_space<semaphore_mem>>)
        %dma_wait3A_155 = arith.constant 0 : i32
        %dma_wait3A_156 = tpu.memref_slice %arg9[%mul3A_151, %dma_wait3A_155] : memref<10000x64xf32, #tpu.memory_space<vmem_shared>> -> memref<632x64xf32, #tpu.memory_space<vmem_shared>>
        %dma_wait3A_157 = tpu.memref_slice %arg2[%mul3A_147, %mul3A_149] : memref<10000x128xf32, #tpu.memory_space<hbm>> -> memref<632x64xf32, #tpu.memory_space<hbm>>
        tpu.wait_dma2 semaphore(%run_scoped3A : memref<!tpu.dma_semaphore, #tpu.memory_space<semaphore_mem>>) src(%dma_wait3A_157 : memref<632x64xf32, #tpu.memory_space<hbm>>) dst(%dma_wait3A_156 : memref<632x64xf32, #tpu.memory_space<vmem_shared>>)
        tpu.yield
      }) : () -> ()
    } else {
    }
    %eq3A = arith.constant 15 : i32
    %eq3A_73 = arith.cmpi eq, %arg1, %eq3A : i32
    %convert_element_type3A_74 = arith.extui %eq3A_73 : i1 to i32
    %cond3A_75 = arith.constant 0 : i32
    %cond3A_76 = arith.cmpi ne, %convert_element_type3A_74, %cond3A_75 : i32
    scf.if %cond3A_76 {
      %mul3A_146 = arith.constant 64 : i32
      %mul3A_147 = arith.muli %arg0, %mul3A_146 : i32
      "tpu.region"() ({
        %run_scoped3A = tpu.sem_alloc : memref<!tpu.dma_semaphore, #tpu.memory_space<semaphore_mem>>
        %dma_start3A_148 = arith.constant 9480 : i32
        %dma_start3A_149 = arith.constant 0 : i32
        %dma_start3A_150 = tpu.memref_slice %arg9[%dma_start3A_148, %dma_start3A_149] : memref<10000x64xf32, #tpu.memory_space<vmem_shared>> -> memref<520x64xf32, #tpu.memory_space<vmem_shared>>
        %dma_start3A_151 = arith.constant 9480 : i32
        %dma_start3A_152 = tpu.memref_slice %arg2[%dma_start3A_151, %mul3A_147] : memref<10000x128xf32, #tpu.memory_space<hbm>> -> memref<520x64xf32, #tpu.memory_space<hbm>>
        tpu.enqueue_dma source(%dma_start3A_152 : memref<520x64xf32, #tpu.memory_space<hbm>>) target(%dma_start3A_150 : memref<520x64xf32, #tpu.memory_space<vmem_shared>>) target_semaphore(%run_scoped3A : memref<!tpu.dma_semaphore, #tpu.memory_space<semaphore_mem>>)
        %dma_wait3A_153 = arith.constant 9480 : i32
        %dma_wait3A_154 = arith.constant 0 : i32
        %dma_wait3A_155 = tpu.memref_slice %arg9[%dma_wait3A_153, %dma_wait3A_154] : memref<10000x64xf32, #tpu.memory_space<vmem_shared>> -> memref<520x64xf32, #tpu.memory_space<vmem_shared>>
        %dma_wait3A_156 = arith.constant 9480 : i32
        %dma_wait3A_157 = tpu.memref_slice %arg2[%dma_wait3A_156, %mul3A_147] : memref<10000x128xf32, #tpu.memory_space<hbm>> -> memref<520x64xf32, #tpu.memory_space<hbm>>
        tpu.wait_dma2 semaphore(%run_scoped3A : memref<!tpu.dma_semaphore, #tpu.memory_space<semaphore_mem>>) src(%dma_wait3A_157 : memref<520x64xf32, #tpu.memory_space<hbm>>) dst(%dma_wait3A_155 : memref<520x64xf32, #tpu.memory_space<vmem_shared>>)
        tpu.yield
      }) : () -> ()
    } else {
    }
    %mul3A = arith.constant 632 : i32
    %mul3A_77 = arith.muli %arg1, %mul3A : i32
    %mul3A_78 = arith.constant 632 : i32
    %mul3A_79 = arith.muli %arg1, %mul3A_78 : i32
    "tpu.region"() ({
      %run_scoped3A = tpu.sem_alloc : memref<!tpu.dma_semaphore, #tpu.memory_space<semaphore_mem>>
      %dma_start3A_146 = arith.constant 0 : i32
      %dma_start3A_147 = tpu.memref_slice %arg8[%mul3A_79, %dma_start3A_146] : memref<10112x64xf32, #tpu.memory_space<vmem_shared>> -> memref<632x64xf32, #tpu.memory_space<vmem_shared>>
      %dma_start3A_148 = arith.constant 0 : i32
      %dma_start3A_149 = tpu.memref_slice %arg4[%mul3A_77, %dma_start3A_148] : memref<10112x64xf32, #tpu.memory_space<hbm>> -> memref<632x64xf32, #tpu.memory_space<hbm>>
      tpu.enqueue_dma source(%dma_start3A_149 : memref<632x64xf32, #tpu.memory_space<hbm>>) target(%dma_start3A_147 : memref<632x64xf32, #tpu.memory_space<vmem_shared>>) target_semaphore(%run_scoped3A : memref<!tpu.dma_semaphore, #tpu.memory_space<semaphore_mem>>)
      %dma_wait3A_150 = arith.constant 0 : i32
      %dma_wait3A_151 = tpu.memref_slice %arg8[%mul3A_79, %dma_wait3A_150] : memref<10112x64xf32, #tpu.memory_space<vmem_shared>> -> memref<632x64xf32, #tpu.memory_space<vmem_shared>>
      %dma_wait3A_152 = arith.constant 0 : i32
      %dma_wait3A_153 = tpu.memref_slice %arg4[%mul3A_77, %dma_wait3A_152] : memref<10112x64xf32, #tpu.memory_space<hbm>> -> memref<632x64xf32, #tpu.memory_space<hbm>>
      tpu.wait_dma2 semaphore(%run_scoped3A : memref<!tpu.dma_semaphore, #tpu.memory_space<semaphore_mem>>) src(%dma_wait3A_153 : memref<632x64xf32, #tpu.memory_space<hbm>>) dst(%dma_wait3A_151 : memref<632x64xf32, #tpu.memory_space<vmem_shared>>)
      tpu.yield
    }) : () -> ()
    %eq3A_80 = arith.constant 0 : i32
    %eq3A_81 = arith.cmpi eq, %arg0, %eq3A_80 : i32
    %convert_element_type3A_82 = arith.extui %eq3A_81 : i1 to i32
    %cond3A_83 = arith.constant 0 : i32
    %cond3A_84 = arith.cmpi ne, %convert_element_type3A_82, %cond3A_83 : i32
    scf.if %cond3A_84 {
      "tpu.region"() ({
        %run_scoped3A = tpu.sem_alloc : memref<!tpu.dma_semaphore, #tpu.memory_space<semaphore_mem>>
        tpu.enqueue_dma source(%arg5 : memref<10112xf32, #tpu.memory_space<hbm>>) target(%arg10 : memref<10112xf32, #tpu.memory_space<vmem>>) target_semaphore(%run_scoped3A : memref<!tpu.dma_semaphore, #tpu.memory_space<semaphore_mem>>)
        tpu.wait_dma2 semaphore(%run_scoped3A : memref<!tpu.dma_semaphore, #tpu.memory_space<semaphore_mem>>) src(%arg5 : memref<10112xf32, #tpu.memory_space<hbm>>) dst(%arg10 : memref<10112xf32, #tpu.memory_space<vmem>>)
        tpu.yield
      }) : () -> ()
    } else {
    }
    %barrier3A = arith.constant 0 : index
    tpu.barrier barrier_id(%barrier3A)
    %dma_wait3A = arith.constant 0 : i32
    %dma_wait3A_85 = arith.constant 0 : i32
    %dma_wait3A_86 = arith.constant 0 : i32
    %dma_wait3A_87 = tpu.memref_slice %arg3[%arg1, %dma_wait3A, %dma_wait3A_85, %dma_wait3A_86] : memref<16x160x2x128xi32, #tpu.memory_space<hbm>> -> memref<1x1x2x128xi32, #tpu.memory_space<hbm>>
    %dma_wait3A_88 = tpu.memref_squeeze %dma_wait3A_87 : memref<1x1x2x128xi32, #tpu.memory_space<hbm>> -> memref<2x128xi32, #tpu.memory_space<hbm>>
    %dma_wait3A_89 = arith.constant 0 : i32
    %dma_wait3A_90 = arith.constant 0 : i32
    %dma_wait3A_91 = tpu.memref_slice %arg3[%arg1, %dma_wait3A, %dma_wait3A_89, %dma_wait3A_90] : memref<16x160x2x128xi32, #tpu.memory_space<hbm>> -> memref<1x1x2x128xi32, #tpu.memory_space<hbm>>
    %dma_wait3A_92 = tpu.memref_squeeze %dma_wait3A_91 : memref<1x1x2x128xi32, #tpu.memory_space<hbm>> -> memref<2x128xi32, #tpu.memory_space<hbm>>
    tpu.wait_dma2 semaphore(%arg23 : memref<!tpu.dma_semaphore, #tpu.memory_space<semaphore_mem>>) src(%dma_wait3A_92 : memref<2x128xi32, #tpu.memory_space<hbm>>) dst(%arg11 : memref<2x128xi32, #tpu.memory_space<vmem>>)
    %dma_start3A_93 = arith.constant 0 : i32
    %dma_start3A_94 = arith.constant 0 : i32
    %dma_start3A_95 = tpu.memref_slice %arg11[%dma_start3A_93, %dma_start3A_94] : memref<2x128xi32, #tpu.memory_space<vmem>> -> memref<1x128xi32, #tpu.memory_space<vmem>>
    %dma_start3A_96 = tpu.memref_squeeze %dma_start3A_95 : memref<1x128xi32, #tpu.memory_space<vmem>> -> memref<128xi32, #tpu.memory_space<vmem>>
    %dma_start3A_97 = arith.constant 0 : i32
    %dma_start3A_98 = arith.constant 0 : i32
    %dma_start3A_99 = tpu.memref_slice %arg9[%dma_start3A_97, %dma_start3A_98] : memref<10000x64xf32, #tpu.memory_space<vmem_shared>> -> memref<10000x64xf32, #tpu.memory_space<vmem_shared>>
    tpu.enqueue_indirect_dma source(%dma_start3A_99 : memref<10000x64xf32, #tpu.memory_space<vmem_shared>>) target(%arg19 : memref<128x64xf32, #tpu.memory_space<vmem>>) offsets(%dma_start3A_96 : memref<128xi32, #tpu.memory_space<vmem>>) semaphore(%arg31 : memref<!tpu.dma_semaphore, #tpu.memory_space<semaphore_mem>>)
    %dma_wait3A_100 = arith.constant 1 : i32
    %dma_wait3A_101 = arith.constant 0 : i32
    %dma_wait3A_102 = arith.constant 0 : i32
    %dma_wait3A_103 = tpu.memref_slice %arg3[%arg1, %dma_wait3A_100, %dma_wait3A_101, %dma_wait3A_102] : memref<16x160x2x128xi32, #tpu.memory_space<hbm>> -> memref<1x1x2x128xi32, #tpu.memory_space<hbm>>
    %dma_wait3A_104 = tpu.memref_squeeze %dma_wait3A_103 : memref<1x1x2x128xi32, #tpu.memory_space<hbm>> -> memref<2x128xi32, #tpu.memory_space<hbm>>
    %dma_wait3A_105 = arith.constant 0 : i32
    %dma_wait3A_106 = arith.constant 0 : i32
    %dma_wait3A_107 = tpu.memref_slice %arg3[%arg1, %dma_wait3A_100, %dma_wait3A_105, %dma_wait3A_106] : memref<16x160x2x128xi32, #tpu.memory_space<hbm>> -> memref<1x1x2x128xi32, #tpu.memory_space<hbm>>
    %dma_wait3A_108 = tpu.memref_squeeze %dma_wait3A_107 : memref<1x1x2x128xi32, #tpu.memory_space<hbm>> -> memref<2x128xi32, #tpu.memory_space<hbm>>
    tpu.wait_dma2 semaphore(%arg24 : memref<!tpu.dma_semaphore, #tpu.memory_space<semaphore_mem>>) src(%dma_wait3A_108 : memref<2x128xi32, #tpu.memory_space<hbm>>) dst(%arg12 : memref<2x128xi32, #tpu.memory_space<vmem>>)
    %dma_start3A_109 = arith.constant 0 : i32
    %dma_start3A_110 = arith.constant 0 : i32
    %dma_start3A_111 = tpu.memref_slice %arg12[%dma_start3A_109, %dma_start3A_110] : memref<2x128xi32, #tpu.memory_space<vmem>> -> memref<1x128xi32, #tpu.memory_space<vmem>>
    %dma_start3A_112 = tpu.memref_squeeze %dma_start3A_111 : memref<1x128xi32, #tpu.memory_space<vmem>> -> memref<128xi32, #tpu.memory_space<vmem>>
    %dma_start3A_113 = arith.constant 0 : i32
    %dma_start3A_114 = arith.constant 0 : i32
    %dma_start3A_115 = tpu.memref_slice %arg9[%dma_start3A_113, %dma_start3A_114] : memref<10000x64xf32, #tpu.memory_space<vmem_shared>> -> memref<10000x64xf32, #tpu.memory_space<vmem_shared>>
    tpu.enqueue_indirect_dma source(%dma_start3A_115 : memref<10000x64xf32, #tpu.memory_space<vmem_shared>>) target(%arg20 : memref<128x64xf32, #tpu.memory_space<vmem>>) offsets(%dma_start3A_112 : memref<128xi32, #tpu.memory_space<vmem>>) semaphore(%arg32 : memref<!tpu.dma_semaphore, #tpu.memory_space<semaphore_mem>>)
    %broadcast_in_dim3A = arith.constant 1.000000e+00 : f32
    %broadcast_in_dim3A_116 = vector.broadcast %broadcast_in_dim3A : f32 to vector<16xf32>
    %scan3A = arith.constant 0 : i32
    %scan3A_117 = arith.constant 0 : i32
    %scan3A_118 = arith.constant 20 : i32
    %scan3A_119 = arith.addi %scan3A_117, %scan3A_118 : i32
    %scan3A_120 = arith.constant 1 : i32
    scf.for %scan3A_146 = %scan3A_117 to %scan3A_119 step %scan3A_120  : i32 {
      %mul3A_147 = arith.constant 8 : i32
      %mul3A_148 = arith.muli %scan3A_146, %mul3A_147 : i32
      %add3A = arith.constant 0 : i32
      %add3A_149 = arith.addi %mul3A_148, %add3A : i32
      %dma_wait3A_150 = arith.constant 0 : i32
      %dma_wait3A_151 = arith.constant 0 : i32
      %dma_wait3A_152 = tpu.memref_slice %arg9[%dma_wait3A_150, %dma_wait3A_151] : memref<10000x64xf32, #tpu.memory_space<vmem_shared>> -> memref<128x64xf32, #tpu.memory_space<vmem_shared>>
      %dma_wait3A_153 = arith.constant 0 : i32
      %dma_wait3A_154 = arith.constant 0 : i32
      %dma_wait3A_155 = tpu.memref_slice %arg9[%dma_wait3A_153, %dma_wait3A_154] : memref<10000x64xf32, #tpu.memory_space<vmem_shared>> -> memref<128x64xf32, #tpu.memory_space<vmem_shared>>
      tpu.wait_dma2 semaphore(%arg31 : memref<!tpu.dma_semaphore, #tpu.memory_space<semaphore_mem>>) src(%dma_wait3A_155 : memref<128x64xf32, #tpu.memory_space<vmem_shared>>) dst(%arg19 : memref<128x64xf32, #tpu.memory_space<vmem>>)
      %dma_start3A_156 = arith.constant 1 : i32
      %dma_start3A_157 = arith.constant 0 : i32
      %dma_start3A_158 = tpu.memref_slice %arg11[%dma_start3A_156, %dma_start3A_157] : memref<2x128xi32, #tpu.memory_space<vmem>> -> memref<1x128xi32, #tpu.memory_space<vmem>>
      %dma_start3A_159 = tpu.memref_squeeze %dma_start3A_158 : memref<1x128xi32, #tpu.memory_space<vmem>> -> memref<128xi32, #tpu.memory_space<vmem>>
      %dma_start3A_160 = arith.constant 0 : i32
      %dma_start3A_161 = arith.constant 0 : i32
      %dma_start3A_162 = tpu.memref_slice %arg8[%dma_start3A_160, %dma_start3A_161] : memref<10112x64xf32, #tpu.memory_space<vmem_shared>> -> memref<10112x64xf32, #tpu.memory_space<vmem_shared>>
      tpu.enqueue_indirect_dma source(%arg19 : memref<128x64xf32, #tpu.memory_space<vmem>>) target(%dma_start3A_162 : memref<10112x64xf32, #tpu.memory_space<vmem_shared>>) offsets(%dma_start3A_159 : memref<128xi32, #tpu.memory_space<vmem>>) semaphore(%arg35 : memref<!tpu.dma_semaphore, #tpu.memory_space<semaphore_mem>>) {add = true}
      %eq3A_163 = arith.constant 0 : i32
      %eq3A_164 = arith.cmpi eq, %arg0, %eq3A_163 : i32
      %convert_element_type3A_165 = arith.extui %eq3A_164 : i1 to i32
      %cond3A_166 = arith.constant 0 : i32
      %cond3A_167 = arith.cmpi ne, %convert_element_type3A_165, %cond3A_166 : i32
      scf.if %cond3A_167 {
        %get3A = arith.constant 1 : i32
        %get3A_463 = arith.index_cast %get3A : i32 to index
        %get3A_464 = arith.constant 0 : index
        %get3A_465 = tpu.vector_load %arg11[%get3A_463, %get3A_464] {strides = array<i32>} : memref<2x128xi32, #tpu.memory_space<vmem>>, vector<16xi32>,
        tpu.vector_store_idx %arg10[%get3A_465], %broadcast_in_dim3A_116 {add = true} : memref<10112xf32, #tpu.memory_space<vmem>>[vector<16xi32>], vector<16xf32>,
        %get3A_466 = arith.constant 1 : i32
        %get3A_467 = arith.index_cast %get3A_466 : i32 to index
        %get3A_468 = arith.constant 16 : index
        %get3A_469 = tpu.vector_load %arg11[%get3A_467, %get3A_468] {strides = array<i32>} : memref<2x128xi32, #tpu.memory_space<vmem>>, vector<16xi32>,
        tpu.vector_store_idx %arg10[%get3A_469], %broadcast_in_dim3A_116 {add = true} : memref<10112xf32, #tpu.memory_space<vmem>>[vector<16xi32>], vector<16xf32>,
        %get3A_470 = arith.constant 1 : i32
        %get3A_471 = arith.index_cast %get3A_470 : i32 to index
        %get3A_472 = arith.constant 32 : index
        %get3A_473 = tpu.vector_load %arg11[%get3A_471, %get3A_472] {strides = array<i32>} : memref<2x128xi32, #tpu.memory_space<vmem>>, vector<16xi32>,
        tpu.vector_store_idx %arg10[%get3A_473], %broadcast_in_dim3A_116 {add = true} : memref<10112xf32, #tpu.memory_space<vmem>>[vector<16xi32>], vector<16xf32>,
        %get3A_474 = arith.constant 1 : i32
        %get3A_475 = arith.index_cast %get3A_474 : i32 to index
        %get3A_476 = arith.constant 48 : index
        %get3A_477 = tpu.vector_load %arg11[%get3A_475, %get3A_476] {strides = array<i32>} : memref<2x128xi32, #tpu.memory_space<vmem>>, vector<16xi32>,
        tpu.vector_store_idx %arg10[%get3A_477], %broadcast_in_dim3A_116 {add = true} : memref<10112xf32, #tpu.memory_space<vmem>>[vector<16xi32>], vector<16xf32>,
        %get3A_478 = arith.constant 1 : i32
        %get3A_479 = arith.index_cast %get3A_478 : i32 to index
        %get3A_480 = arith.constant 64 : index
        %get3A_481 = tpu.vector_load %arg11[%get3A_479, %get3A_480] {strides = array<i32>} : memref<2x128xi32, #tpu.memory_space<vmem>>, vector<16xi32>,
        tpu.vector_store_idx %arg10[%get3A_481], %broadcast_in_dim3A_116 {add = true} : memref<10112xf32, #tpu.memory_space<vmem>>[vector<16xi32>], vector<16xf32>,
        %get3A_482 = arith.constant 1 : i32
        %get3A_483 = arith.index_cast %get3A_482 : i32 to index
        %get3A_484 = arith.constant 80 : index
        %get3A_485 = tpu.vector_load %arg11[%get3A_483, %get3A_484] {strides = array<i32>} : memref<2x128xi32, #tpu.memory_space<vmem>>, vector<16xi32>,
        tpu.vector_store_idx %arg10[%get3A_485], %broadcast_in_dim3A_116 {add = true} : memref<10112xf32, #tpu.memory_space<vmem>>[vector<16xi32>], vector<16xf32>,
        %get3A_486 = arith.constant 1 : i32
        %get3A_487 = arith.index_cast %get3A_486 : i32 to index
        %get3A_488 = arith.constant 96 : index
        %get3A_489 = tpu.vector_load %arg11[%get3A_487, %get3A_488] {strides = array<i32>} : memref<2x128xi32, #tpu.memory_space<vmem>>, vector<16xi32>,
        tpu.vector_store_idx %arg10[%get3A_489], %broadcast_in_dim3A_116 {add = true} : memref<10112xf32, #tpu.memory_space<vmem>>[vector<16xi32>], vector<16xf32>,
        %get3A_490 = arith.constant 1 : i32
        %get3A_491 = arith.index_cast %get3A_490 : i32 to index
        %get3A_492 = arith.constant 112 : index
        %get3A_493 = tpu.vector_load %arg11[%get3A_491, %get3A_492] {strides = array<i32>} : memref<2x128xi32, #tpu.memory_space<vmem>>, vector<16xi32>,
        tpu.vector_store_idx %arg10[%get3A_493], %broadcast_in_dim3A_116 {add = true} : memref<10112xf32, #tpu.memory_space<vmem>>[vector<16xi32>], vector<16xf32>,
      } else {
      }
      %ge3A = arith.constant 2 : i32
      %ge3A_168 = arith.cmpi sge, %add3A_149, %ge3A : i32
      %convert_element_type3A_169 = arith.extui %ge3A_168 : i1 to i32
      %cond3A_170 = arith.constant 0 : i32
      %cond3A_171 = arith.cmpi ne, %convert_element_type3A_169, %cond3A_170 : i32
      scf.if %cond3A_171 {
        %dma_wait3A_463 = arith.constant 1 : i32
        %dma_wait3A_464 = arith.constant 0 : i32
        %dma_wait3A_465 = tpu.memref_slice %arg17[%dma_wait3A_463, %dma_wait3A_464] : memref<2x128xi32, #tpu.memory_space<vmem>> -> memref<1x128xi32, #tpu.memory_space<vmem>>
        %dma_wait3A_466 = tpu.memref_squeeze %dma_wait3A_465 : memref<1x128xi32, #tpu.memory_space<vmem>> -> memref<128xi32, #tpu.memory_space<vmem>>
        %dma_wait3A_467 = arith.constant 0 : i32
        %dma_wait3A_468 = arith.constant 0 : i32
        %dma_wait3A_469 = tpu.memref_slice %arg8[%dma_wait3A_467, %dma_wait3A_468] : memref<10112x64xf32, #tpu.memory_space<vmem_shared>> -> memref<10112x64xf32, #tpu.memory_space<vmem_shared>>
        tpu.wait_indirect_dma semaphore(%arg37 : memref<!tpu.dma_semaphore, #tpu.memory_space<semaphore_mem>>) src(%arg21 : memref<128x64xf32, #tpu.memory_space<vmem>>) dst(%dma_wait3A_469 : memref<10112x64xf32, #tpu.memory_space<vmem_shared>>)
      } else {
      }
      %lt3A_172 = arith.constant 158 : i32
      %lt3A_173 = arith.cmpi slt, %add3A_149, %lt3A_172 : i32
      %convert_element_type3A_174 = arith.extui %lt3A_173 : i1 to i32
      %cond3A_175 = arith.constant 0 : i32
      %cond3A_176 = arith.cmpi ne, %convert_element_type3A_174, %cond3A_175 : i32
      scf.if %cond3A_176 {
        %dma_wait3A_463 = arith.constant 0 : i32
        %dma_wait3A_464 = arith.constant 0 : i32
        %dma_wait3A_465 = arith.constant 0 : i32
        %dma_wait3A_466 = tpu.memref_slice %arg3[%arg1, %dma_wait3A_463, %dma_wait3A_464, %dma_wait3A_465] : memref<16x160x2x128xi32, #tpu.memory_space<hbm>> -> memref<1x1x2x128xi32, #tpu.memory_space<hbm>>
        %dma_wait3A_467 = tpu.memref_squeeze %dma_wait3A_466 : memref<1x1x2x128xi32, #tpu.memory_space<hbm>> -> memref<2x128xi32, #tpu.memory_space<hbm>>
        %dma_wait3A_468 = arith.constant 0 : i32
        %dma_wait3A_469 = arith.constant 0 : i32
        %dma_wait3A_470 = tpu.memref_slice %arg3[%arg1, %dma_wait3A_463, %dma_wait3A_468, %dma_wait3A_469] : memref<16x160x2x128xi32, #tpu.memory_space<hbm>> -> memref<1x1x2x128xi32, #tpu.memory_space<hbm>>
        %dma_wait3A_471 = tpu.memref_squeeze %dma_wait3A_470 : memref<1x1x2x128xi32, #tpu.memory_space<hbm>> -> memref<2x128xi32, #tpu.memory_space<hbm>>
        tpu.wait_dma2 semaphore(%arg25 : memref<!tpu.dma_semaphore, #tpu.memory_space<semaphore_mem>>) src(%dma_wait3A_471 : memref<2x128xi32, #tpu.memory_space<hbm>>) dst(%arg13 : memref<2x128xi32, #tpu.memory_space<vmem>>)
        %dma_start3A_472 = arith.constant 0 : i32
        %dma_start3A_473 = arith.constant 0 : i32
        %dma_start3A_474 = tpu.memref_slice %arg13[%dma_start3A_472, %dma_start3A_473] : memref<2x128xi32, #tpu.memory_space<vmem>> -> memref<1x128xi32, #tpu.memory_space<vmem>>
        %dma_start3A_475 = tpu.memref_squeeze %dma_start3A_474 : memref<1x128xi32, #tpu.memory_space<vmem>> -> memref<128xi32, #tpu.memory_space<vmem>>
        %dma_start3A_476 = arith.constant 0 : i32
        %dma_start3A_477 = arith.constant 0 : i32
        %dma_start3A_478 = tpu.memref_slice %arg9[%dma_start3A_476, %dma_start3A_477] : memref<10000x64xf32, #tpu.memory_space<vmem_shared>> -> memref<10000x64xf32, #tpu.memory_space<vmem_shared>>
        tpu.enqueue_indirect_dma source(%dma_start3A_478 : memref<10000x64xf32, #tpu.memory_space<vmem_shared>>) target(%arg21 : memref<128x64xf32, #tpu.memory_space<vmem>>) offsets(%dma_start3A_475 : memref<128xi32, #tpu.memory_space<vmem>>) semaphore(%arg33 : memref<!tpu.dma_semaphore, #tpu.memory_space<semaphore_mem>>)
      } else {
      }
      %ge3A_177 = arith.constant 2 : i32
      %ge3A_178 = arith.cmpi sge, %add3A_149, %ge3A_177 : i32
      %le3A = arith.constant 153 : i32
      %le3A_179 = arith.cmpi sle, %add3A_149, %le3A : i32
      %and3A = arith.andi %ge3A_178, %le3A_179 : i1
      %convert_element_type3A_180 = arith.extui %and3A : i1 to i32
      %cond3A_181 = arith.constant 0 : i32
      %cond3A_182 = arith.cmpi ne, %convert_element_type3A_180, %cond3A_181 : i32
      scf.if %cond3A_182 {
        %add3A_463 = arith.constant 6 : i32
        %add3A_464 = arith.addi %add3A_149, %add3A_463 : i32
        %dma_start3A_465 = arith.constant 0 : i32
        %dma_start3A_466 = arith.constant 0 : i32
        %dma_start3A_467 = tpu.memref_slice %arg3[%arg1, %add3A_464, %dma_start3A_465, %dma_start3A_466] : memref<16x160x2x128xi32, #tpu.memory_space<hbm>> -> memref<1x1x2x128xi32, #tpu.memory_space<hbm>>
        %dma_start3A_468 = tpu.memref_squeeze %dma_start3A_467 : memref<1x1x2x128xi32, #tpu.memory_space<hbm>> -> memref<2x128xi32, #tpu.memory_space<hbm>>
        %dma_start3A_469 = arith.constant 0 : i32
        %dma_start3A_470 = arith.constant 0 : i32
        %dma_start3A_471 = tpu.memref_slice %arg3[%arg1, %add3A_464, %dma_start3A_469, %dma_start3A_470] : memref<16x160x2x128xi32, #tpu.memory_space<hbm>> -> memref<1x1x2x128xi32, #tpu.memory_space<hbm>>
        %dma_start3A_472 = tpu.memref_squeeze %dma_start3A_471 : memref<1x1x2x128xi32, #tpu.memory_space<hbm>> -> memref<2x128xi32, #tpu.memory_space<hbm>>
        tpu.enqueue_dma source(%dma_start3A_472 : memref<2x128xi32, #tpu.memory_space<hbm>>) target(%arg17 : memref<2x128xi32, #tpu.memory_space<vmem>>) target_semaphore(%arg29 : memref<!tpu.dma_semaphore, #tpu.memory_space<semaphore_mem>>)
      } else {
      }
      %mul3A_183 = arith.constant 8 : i32
      %mul3A_184 = arith.muli %scan3A_146, %mul3A_183 : i32
      %add3A_185 = arith.constant 1 : i32
      %add3A_186 = arith.addi %mul3A_184, %add3A_185 : i32
      %dma_wait3A_187 = arith.constant 0 : i32
      %dma_wait3A_188 = arith.constant 0 : i32
      %dma_wait3A_189 = tpu.memref_slice %arg9[%dma_wait3A_187, %dma_wait3A_188] : memref<10000x64xf32, #tpu.memory_space<vmem_shared>> -> memref<128x64xf32, #tpu.memory_space<vmem_shared>>
      %dma_wait3A_190 = arith.constant 0 : i32
      %dma_wait3A_191 = arith.constant 0 : i32
      %dma_wait3A_192 = tpu.memref_slice %arg9[%dma_wait3A_190, %dma_wait3A_191] : memref<10000x64xf32, #tpu.memory_space<vmem_shared>> -> memref<128x64xf32, #tpu.memory_space<vmem_shared>>
      tpu.wait_dma2 semaphore(%arg32 : memref<!tpu.dma_semaphore, #tpu.memory_space<semaphore_mem>>) src(%dma_wait3A_192 : memref<128x64xf32, #tpu.memory_space<vmem_shared>>) dst(%arg20 : memref<128x64xf32, #tpu.memory_space<vmem>>)
      %dma_start3A_193 = arith.constant 1 : i32
      %dma_start3A_194 = arith.constant 0 : i32
      %dma_start3A_195 = tpu.memref_slice %arg12[%dma_start3A_193, %dma_start3A_194] : memref<2x128xi32, #tpu.memory_space<vmem>> -> memref<1x128xi32, #tpu.memory_space<vmem>>
      %dma_start3A_196 = tpu.memref_squeeze %dma_start3A_195 : memref<1x128xi32, #tpu.memory_space<vmem>> -> memref<128xi32, #tpu.memory_space<vmem>>
      %dma_start3A_197 = arith.constant 0 : i32
      %dma_start3A_198 = arith.constant 0 : i32
      %dma_start3A_199 = tpu.memref_slice %arg8[%dma_start3A_197, %dma_start3A_198] : memref<10112x64xf32, #tpu.memory_space<vmem_shared>> -> memref<10112x64xf32, #tpu.memory_space<vmem_shared>>
      tpu.enqueue_indirect_dma source(%arg20 : memref<128x64xf32, #tpu.memory_space<vmem>>) target(%dma_start3A_199 : memref<10112x64xf32, #tpu.memory_space<vmem_shared>>) offsets(%dma_start3A_196 : memref<128xi32, #tpu.memory_space<vmem>>) semaphore(%arg36 : memref<!tpu.dma_semaphore, #tpu.memory_space<semaphore_mem>>) {add = true}
      %eq3A_200 = arith.constant 0 : i32
      %eq3A_201 = arith.cmpi eq, %arg0, %eq3A_200 : i32
      %convert_element_type3A_202 = arith.extui %eq3A_201 : i1 to i32
      %cond3A_203 = arith.constant 0 : i32
      %cond3A_204 = arith.cmpi ne, %convert_element_type3A_202, %cond3A_203 : i32
      scf.if %cond3A_204 {
        %get3A = arith.constant 1 : i32
        %get3A_463 = arith.index_cast %get3A : i32 to index
        %get3A_464 = arith.constant 0 : index
        %get3A_465 = tpu.vector_load %arg12[%get3A_463, %get3A_464] {strides = array<i32>} : memref<2x128xi32, #tpu.memory_space<vmem>>, vector<16xi32>,
        tpu.vector_store_idx %arg10[%get3A_465], %broadcast_in_dim3A_116 {add = true} : memref<10112xf32, #tpu.memory_space<vmem>>[vector<16xi32>], vector<16xf32>,
        %get3A_466 = arith.constant 1 : i32
        %get3A_467 = arith.index_cast %get3A_466 : i32 to index
        %get3A_468 = arith.constant 16 : index
        %get3A_469 = tpu.vector_load %arg12[%get3A_467, %get3A_468] {strides = array<i32>} : memref<2x128xi32, #tpu.memory_space<vmem>>, vector<16xi32>,
        tpu.vector_store_idx %arg10[%get3A_469], %broadcast_in_dim3A_116 {add = true} : memref<10112xf32, #tpu.memory_space<vmem>>[vector<16xi32>], vector<16xf32>,
        %get3A_470 = arith.constant 1 : i32
        %get3A_471 = arith.index_cast %get3A_470 : i32 to index
        %get3A_472 = arith.constant 32 : index
        %get3A_473 = tpu.vector_load %arg12[%get3A_471, %get3A_472] {strides = array<i32>} : memref<2x128xi32, #tpu.memory_space<vmem>>, vector<16xi32>,
        tpu.vector_store_idx %arg10[%get3A_473], %broadcast_in_dim3A_116 {add = true} : memref<10112xf32, #tpu.memory_space<vmem>>[vector<16xi32>], vector<16xf32>,
        %get3A_474 = arith.constant 1 : i32
        %get3A_475 = arith.index_cast %get3A_474 : i32 to index
        %get3A_476 = arith.constant 48 : index
        %get3A_477 = tpu.vector_load %arg12[%get3A_475, %get3A_476] {strides = array<i32>} : memref<2x128xi32, #tpu.memory_space<vmem>>, vector<16xi32>,
        tpu.vector_store_idx %arg10[%get3A_477], %broadcast_in_dim3A_116 {add = true} : memref<10112xf32, #tpu.memory_space<vmem>>[vector<16xi32>], vector<16xf32>,
        %get3A_478 = arith.constant 1 : i32
        %get3A_479 = arith.index_cast %get3A_478 : i32 to index
        %get3A_480 = arith.constant 64 : index
        %get3A_481 = tpu.vector_load %arg12[%get3A_479, %get3A_480] {strides = array<i32>} : memref<2x128xi32, #tpu.memory_space<vmem>>, vector<16xi32>,
        tpu.vector_store_idx %arg10[%get3A_481], %broadcast_in_dim3A_116 {add = true} : memref<10112xf32, #tpu.memory_space<vmem>>[vector<16xi32>], vector<16xf32>,
        %get3A_482 = arith.constant 1 : i32
        %get3A_483 = arith.index_cast %get3A_482 : i32 to index
        %get3A_484 = arith.constant 80 : index
        %get3A_485 = tpu.vector_load %arg12[%get3A_483, %get3A_484] {strides = array<i32>} : memref<2x128xi32, #tpu.memory_space<vmem>>, vector<16xi32>,
        tpu.vector_store_idx %arg10[%get3A_485], %broadcast_in_dim3A_116 {add = true} : memref<10112xf32, #tpu.memory_space<vmem>>[vector<16xi32>], vector<16xf32>,
        %get3A_486 = arith.constant 1 : i32
        %get3A_487 = arith.index_cast %get3A_486 : i32 to index
        %get3A_488 = arith.constant 96 : index
        %get3A_489 = tpu.vector_load %arg12[%get3A_487, %get3A_488] {strides = array<i32>} : memref<2x128xi32, #tpu.memory_space<vmem>>, vector<16xi32>,
        tpu.vector_store_idx %arg10[%get3A_489], %broadcast_in_dim3A_116 {add = true} : memref<10112xf32, #tpu.memory_space<vmem>>[vector<16xi32>], vector<16xf32>,
        %get3A_490 = arith.constant 1 : i32
        %get3A_491 = arith.index_cast %get3A_490 : i32 to index
        %get3A_492 = arith.constant 112 : index
        %get3A_493 = tpu.vector_load %arg12[%get3A_491, %get3A_492] {strides = array<i32>} : memref<2x128xi32, #tpu.memory_space<vmem>>, vector<16xi32>,
        tpu.vector_store_idx %arg10[%get3A_493], %broadcast_in_dim3A_116 {add = true} : memref<10112xf32, #tpu.memory_space<vmem>>[vector<16xi32>], vector<16xf32>,
      } else {
      }
      %ge3A_205 = arith.constant 2 : i32
      %ge3A_206 = arith.cmpi sge, %add3A_186, %ge3A_205 : i32
      %convert_element_type3A_207 = arith.extui %ge3A_206 : i1 to i32
      %cond3A_208 = arith.constant 0 : i32
      %cond3A_209 = arith.cmpi ne, %convert_element_type3A_207, %cond3A_208 : i32
      scf.if %cond3A_209 {
        %dma_wait3A_463 = arith.constant 1 : i32
        %dma_wait3A_464 = arith.constant 0 : i32
        %dma_wait3A_465 = tpu.memref_slice %arg18[%dma_wait3A_463, %dma_wait3A_464] : memref<2x128xi32, #tpu.memory_space<vmem>> -> memref<1x128xi32, #tpu.memory_space<vmem>>
        %dma_wait3A_466 = tpu.memref_squeeze %dma_wait3A_465 : memref<1x128xi32, #tpu.memory_space<vmem>> -> memref<128xi32, #tpu.memory_space<vmem>>
        %dma_wait3A_467 = arith.constant 0 : i32
        %dma_wait3A_468 = arith.constant 0 : i32
        %dma_wait3A_469 = tpu.memref_slice %arg8[%dma_wait3A_467, %dma_wait3A_468] : memref<10112x64xf32, #tpu.memory_space<vmem_shared>> -> memref<10112x64xf32, #tpu.memory_space<vmem_shared>>
        tpu.wait_indirect_dma semaphore(%arg38 : memref<!tpu.dma_semaphore, #tpu.memory_space<semaphore_mem>>) src(%arg22 : memref<128x64xf32, #tpu.memory_space<vmem>>) dst(%dma_wait3A_469 : memref<10112x64xf32, #tpu.memory_space<vmem_shared>>)
      } else {
      }
      %lt3A_210 = arith.constant 158 : i32
      %lt3A_211 = arith.cmpi slt, %add3A_186, %lt3A_210 : i32
      %convert_element_type3A_212 = arith.extui %lt3A_211 : i1 to i32
      %cond3A_213 = arith.constant 0 : i32
      %cond3A_214 = arith.cmpi ne, %convert_element_type3A_212, %cond3A_213 : i32
      scf.if %cond3A_214 {
        %dma_wait3A_463 = arith.constant 0 : i32
        %dma_wait3A_464 = arith.constant 0 : i32
        %dma_wait3A_465 = arith.constant 0 : i32
        %dma_wait3A_466 = tpu.memref_slice %arg3[%arg1, %dma_wait3A_463, %dma_wait3A_464, %dma_wait3A_465] : memref<16x160x2x128xi32, #tpu.memory_space<hbm>> -> memref<1x1x2x128xi32, #tpu.memory_space<hbm>>
        %dma_wait3A_467 = tpu.memref_squeeze %dma_wait3A_466 : memref<1x1x2x128xi32, #tpu.memory_space<hbm>> -> memref<2x128xi32, #tpu.memory_space<hbm>>
        %dma_wait3A_468 = arith.constant 0 : i32
        %dma_wait3A_469 = arith.constant 0 : i32
        %dma_wait3A_470 = tpu.memref_slice %arg3[%arg1, %dma_wait3A_463, %dma_wait3A_468, %dma_wait3A_469] : memref<16x160x2x128xi32, #tpu.memory_space<hbm>> -> memref<1x1x2x128xi32, #tpu.memory_space<hbm>>
        %dma_wait3A_471 = tpu.memref_squeeze %dma_wait3A_470 : memref<1x1x2x128xi32, #tpu.memory_space<hbm>> -> memref<2x128xi32, #tpu.memory_space<hbm>>
        tpu.wait_dma2 semaphore(%arg26 : memref<!tpu.dma_semaphore, #tpu.memory_space<semaphore_mem>>) src(%dma_wait3A_471 : memref<2x128xi32, #tpu.memory_space<hbm>>) dst(%arg14 : memref<2x128xi32, #tpu.memory_space<vmem>>)
        %dma_start3A_472 = arith.constant 0 : i32
        %dma_start3A_473 = arith.constant 0 : i32
        %dma_start3A_474 = tpu.memref_slice %arg14[%dma_start3A_472, %dma_start3A_473] : memref<2x128xi32, #tpu.memory_space<vmem>> -> memref<1x128xi32, #tpu.memory_space<vmem>>
        %dma_start3A_475 = tpu.memref_squeeze %dma_start3A_474 : memref<1x128xi32, #tpu.memory_space<vmem>> -> memref<128xi32, #tpu.memory_space<vmem>>
        %dma_start3A_476 = arith.constant 0 : i32
        %dma_start3A_477 = arith.constant 0 : i32
        %dma_start3A_478 = tpu.memref_slice %arg9[%dma_start3A_476, %dma_start3A_477] : memref<10000x64xf32, #tpu.memory_space<vmem_shared>> -> memref<10000x64xf32, #tpu.memory_space<vmem_shared>>
        tpu.enqueue_indirect_dma source(%dma_start3A_478 : memref<10000x64xf32, #tpu.memory_space<vmem_shared>>) target(%arg22 : memref<128x64xf32, #tpu.memory_space<vmem>>) offsets(%dma_start3A_475 : memref<128xi32, #tpu.memory_space<vmem>>) semaphore(%arg34 : memref<!tpu.dma_semaphore, #tpu.memory_space<semaphore_mem>>)
      } else {
      }
      %ge3A_215 = arith.constant 2 : i32
      %ge3A_216 = arith.cmpi sge, %add3A_186, %ge3A_215 : i32
      %le3A_217 = arith.constant 153 : i32
      %le3A_218 = arith.cmpi sle, %add3A_186, %le3A_217 : i32
      %and3A_219 = arith.andi %ge3A_216, %le3A_218 : i1
      %convert_element_type3A_220 = arith.extui %and3A_219 : i1 to i32
      %cond3A_221 = arith.constant 0 : i32
      %cond3A_222 = arith.cmpi ne, %convert_element_type3A_220, %cond3A_221 : i32
      scf.if %cond3A_222 {
        %add3A_463 = arith.constant 6 : i32
        %add3A_464 = arith.addi %add3A_186, %add3A_463 : i32
        %dma_start3A_465 = arith.constant 0 : i32
        %dma_start3A_466 = arith.constant 0 : i32
        %dma_start3A_467 = tpu.memref_slice %arg3[%arg1, %add3A_464, %dma_start3A_465, %dma_start3A_466] : memref<16x160x2x128xi32, #tpu.memory_space<hbm>> -> memref<1x1x2x128xi32, #tpu.memory_space<hbm>>
        %dma_start3A_468 = tpu.memref_squeeze %dma_start3A_467 : memref<1x1x2x128xi32, #tpu.memory_space<hbm>> -> memref<2x128xi32, #tpu.memory_space<hbm>>
        %dma_start3A_469 = arith.constant 0 : i32
        %dma_start3A_470 = arith.constant 0 : i32
        %dma_start3A_471 = tpu.memref_slice %arg3[%arg1, %add3A_464, %dma_start3A_469, %dma_start3A_470] : memref<16x160x2x128xi32, #tpu.memory_space<hbm>> -> memref<1x1x2x128xi32, #tpu.memory_space<hbm>>
        %dma_start3A_472 = tpu.memref_squeeze %dma_start3A_471 : memref<1x1x2x128xi32, #tpu.memory_space<hbm>> -> memref<2x128xi32, #tpu.memory_space<hbm>>
        tpu.enqueue_dma source(%dma_start3A_472 : memref<2x128xi32, #tpu.memory_space<hbm>>) target(%arg18 : memref<2x128xi32, #tpu.memory_space<vmem>>) target_semaphore(%arg30 : memref<!tpu.dma_semaphore, #tpu.memory_space<semaphore_mem>>)
      } else {
      }
      %mul3A_223 = arith.constant 8 : i32
      %mul3A_224 = arith.muli %scan3A_146, %mul3A_223 : i32
      %add3A_225 = arith.constant 2 : i32
      %add3A_226 = arith.addi %mul3A_224, %add3A_225 : i32
      %dma_wait3A_227 = arith.constant 0 : i32
      %dma_wait3A_228 = arith.constant 0 : i32
      %dma_wait3A_229 = tpu.memref_slice %arg9[%dma_wait3A_227, %dma_wait3A_228] : memref<10000x64xf32, #tpu.memory_space<vmem_shared>> -> memref<128x64xf32, #tpu.memory_space<vmem_shared>>
      %dma_wait3A_230 = arith.constant 0 : i32
      %dma_wait3A_231 = arith.constant 0 : i32
      %dma_wait3A_232 = tpu.memref_slice %arg9[%dma_wait3A_230, %dma_wait3A_231] : memref<10000x64xf32, #tpu.memory_space<vmem_shared>> -> memref<128x64xf32, #tpu.memory_space<vmem_shared>>
      tpu.wait_dma2 semaphore(%arg33 : memref<!tpu.dma_semaphore, #tpu.memory_space<semaphore_mem>>) src(%dma_wait3A_232 : memref<128x64xf32, #tpu.memory_space<vmem_shared>>) dst(%arg21 : memref<128x64xf32, #tpu.memory_space<vmem>>)
      %dma_start3A_233 = arith.constant 1 : i32
      %dma_start3A_234 = arith.constant 0 : i32
      %dma_start3A_235 = tpu.memref_slice %arg13[%dma_start3A_233, %dma_start3A_234] : memref<2x128xi32, #tpu.memory_space<vmem>> -> memref<1x128xi32, #tpu.memory_space<vmem>>
      %dma_start3A_236 = tpu.memref_squeeze %dma_start3A_235 : memref<1x128xi32, #tpu.memory_space<vmem>> -> memref<128xi32, #tpu.memory_space<vmem>>
      %dma_start3A_237 = arith.constant 0 : i32
      %dma_start3A_238 = arith.constant 0 : i32
      %dma_start3A_239 = tpu.memref_slice %arg8[%dma_start3A_237, %dma_start3A_238] : memref<10112x64xf32, #tpu.memory_space<vmem_shared>> -> memref<10112x64xf32, #tpu.memory_space<vmem_shared>>
      tpu.enqueue_indirect_dma source(%arg21 : memref<128x64xf32, #tpu.memory_space<vmem>>) target(%dma_start3A_239 : memref<10112x64xf32, #tpu.memory_space<vmem_shared>>) offsets(%dma_start3A_236 : memref<128xi32, #tpu.memory_space<vmem>>) semaphore(%arg37 : memref<!tpu.dma_semaphore, #tpu.memory_space<semaphore_mem>>) {add = true}
      %eq3A_240 = arith.constant 0 : i32
      %eq3A_241 = arith.cmpi eq, %arg0, %eq3A_240 : i32
      %convert_element_type3A_242 = arith.extui %eq3A_241 : i1 to i32
      %cond3A_243 = arith.constant 0 : i32
      %cond3A_244 = arith.cmpi ne, %convert_element_type3A_242, %cond3A_243 : i32
      scf.if %cond3A_244 {
        %get3A = arith.constant 1 : i32
        %get3A_463 = arith.index_cast %get3A : i32 to index
        %get3A_464 = arith.constant 0 : index
        %get3A_465 = tpu.vector_load %arg13[%get3A_463, %get3A_464] {strides = array<i32>} : memref<2x128xi32, #tpu.memory_space<vmem>>, vector<16xi32>,
        tpu.vector_store_idx %arg10[%get3A_465], %broadcast_in_dim3A_116 {add = true} : memref<10112xf32, #tpu.memory_space<vmem>>[vector<16xi32>], vector<16xf32>,
        %get3A_466 = arith.constant 1 : i32
        %get3A_467 = arith.index_cast %get3A_466 : i32 to index
        %get3A_468 = arith.constant 16 : index
        %get3A_469 = tpu.vector_load %arg13[%get3A_467, %get3A_468] {strides = array<i32>} : memref<2x128xi32, #tpu.memory_space<vmem>>, vector<16xi32>,
        tpu.vector_store_idx %arg10[%get3A_469], %broadcast_in_dim3A_116 {add = true} : memref<10112xf32, #tpu.memory_space<vmem>>[vector<16xi32>], vector<16xf32>,
        %get3A_470 = arith.constant 1 : i32
        %get3A_471 = arith.index_cast %get3A_470 : i32 to index
        %get3A_472 = arith.constant 32 : index
        %get3A_473 = tpu.vector_load %arg13[%get3A_471, %get3A_472] {strides = array<i32>} : memref<2x128xi32, #tpu.memory_space<vmem>>, vector<16xi32>,
        tpu.vector_store_idx %arg10[%get3A_473], %broadcast_in_dim3A_116 {add = true} : memref<10112xf32, #tpu.memory_space<vmem>>[vector<16xi32>], vector<16xf32>,
        %get3A_474 = arith.constant 1 : i32
        %get3A_475 = arith.index_cast %get3A_474 : i32 to index
        %get3A_476 = arith.constant 48 : index
        %get3A_477 = tpu.vector_load %arg13[%get3A_475, %get3A_476] {strides = array<i32>} : memref<2x128xi32, #tpu.memory_space<vmem>>, vector<16xi32>,
        tpu.vector_store_idx %arg10[%get3A_477], %broadcast_in_dim3A_116 {add = true} : memref<10112xf32, #tpu.memory_space<vmem>>[vector<16xi32>], vector<16xf32>,
        %get3A_478 = arith.constant 1 : i32
        %get3A_479 = arith.index_cast %get3A_478 : i32 to index
        %get3A_480 = arith.constant 64 : index
        %get3A_481 = tpu.vector_load %arg13[%get3A_479, %get3A_480] {strides = array<i32>} : memref<2x128xi32, #tpu.memory_space<vmem>>, vector<16xi32>,
        tpu.vector_store_idx %arg10[%get3A_481], %broadcast_in_dim3A_116 {add = true} : memref<10112xf32, #tpu.memory_space<vmem>>[vector<16xi32>], vector<16xf32>,
        %get3A_482 = arith.constant 1 : i32
        %get3A_483 = arith.index_cast %get3A_482 : i32 to index
        %get3A_484 = arith.constant 80 : index
        %get3A_485 = tpu.vector_load %arg13[%get3A_483, %get3A_484] {strides = array<i32>} : memref<2x128xi32, #tpu.memory_space<vmem>>, vector<16xi32>,
        tpu.vector_store_idx %arg10[%get3A_485], %broadcast_in_dim3A_116 {add = true} : memref<10112xf32, #tpu.memory_space<vmem>>[vector<16xi32>], vector<16xf32>,
        %get3A_486 = arith.constant 1 : i32
        %get3A_487 = arith.index_cast %get3A_486 : i32 to index
        %get3A_488 = arith.constant 96 : index
        %get3A_489 = tpu.vector_load %arg13[%get3A_487, %get3A_488] {strides = array<i32>} : memref<2x128xi32, #tpu.memory_space<vmem>>, vector<16xi32>,
        tpu.vector_store_idx %arg10[%get3A_489], %broadcast_in_dim3A_116 {add = true} : memref<10112xf32, #tpu.memory_space<vmem>>[vector<16xi32>], vector<16xf32>,
        %get3A_490 = arith.constant 1 : i32
        %get3A_491 = arith.index_cast %get3A_490 : i32 to index
        %get3A_492 = arith.constant 112 : index
        %get3A_493 = tpu.vector_load %arg13[%get3A_491, %get3A_492] {strides = array<i32>} : memref<2x128xi32, #tpu.memory_space<vmem>>, vector<16xi32>,
        tpu.vector_store_idx %arg10[%get3A_493], %broadcast_in_dim3A_116 {add = true} : memref<10112xf32, #tpu.memory_space<vmem>>[vector<16xi32>], vector<16xf32>,
      } else {
      }
      %ge3A_245 = arith.constant 2 : i32
      %ge3A_246 = arith.cmpi sge, %add3A_226, %ge3A_245 : i32
      %convert_element_type3A_247 = arith.extui %ge3A_246 : i1 to i32
      %cond3A_248 = arith.constant 0 : i32
      %cond3A_249 = arith.cmpi ne, %convert_element_type3A_247, %cond3A_248 : i32
      scf.if %cond3A_249 {
        %dma_wait3A_463 = arith.constant 1 : i32
        %dma_wait3A_464 = arith.constant 0 : i32
        %dma_wait3A_465 = tpu.memref_slice %arg11[%dma_wait3A_463, %dma_wait3A_464] : memref<2x128xi32, #tpu.memory_space<vmem>> -> memref<1x128xi32, #tpu.memory_space<vmem>>
        %dma_wait3A_466 = tpu.memref_squeeze %dma_wait3A_465 : memref<1x128xi32, #tpu.memory_space<vmem>> -> memref<128xi32, #tpu.memory_space<vmem>>
        %dma_wait3A_467 = arith.constant 0 : i32
        %dma_wait3A_468 = arith.constant 0 : i32
        %dma_wait3A_469 = tpu.memref_slice %arg8[%dma_wait3A_467, %dma_wait3A_468] : memref<10112x64xf32, #tpu.memory_space<vmem_shared>> -> memref<10112x64xf32, #tpu.memory_space<vmem_shared>>
        tpu.wait_indirect_dma semaphore(%arg35 : memref<!tpu.dma_semaphore, #tpu.memory_space<semaphore_mem>>) src(%arg19 : memref<128x64xf32, #tpu.memory_space<vmem>>) dst(%dma_wait3A_469 : memref<10112x64xf32, #tpu.memory_space<vmem_shared>>)
      } else {
      }
      %lt3A_250 = arith.constant 158 : i32
      %lt3A_251 = arith.cmpi slt, %add3A_226, %lt3A_250 : i32
      %convert_element_type3A_252 = arith.extui %lt3A_251 : i1 to i32
      %cond3A_253 = arith.constant 0 : i32
      %cond3A_254 = arith.cmpi ne, %convert_element_type3A_252, %cond3A_253 : i32
      scf.if %cond3A_254 {
        %dma_wait3A_463 = arith.constant 0 : i32
        %dma_wait3A_464 = arith.constant 0 : i32
        %dma_wait3A_465 = arith.constant 0 : i32
        %dma_wait3A_466 = tpu.memref_slice %arg3[%arg1, %dma_wait3A_463, %dma_wait3A_464, %dma_wait3A_465] : memref<16x160x2x128xi32, #tpu.memory_space<hbm>> -> memref<1x1x2x128xi32, #tpu.memory_space<hbm>>
        %dma_wait3A_467 = tpu.memref_squeeze %dma_wait3A_466 : memref<1x1x2x128xi32, #tpu.memory_space<hbm>> -> memref<2x128xi32, #tpu.memory_space<hbm>>
        %dma_wait3A_468 = arith.constant 0 : i32
        %dma_wait3A_469 = arith.constant 0 : i32
        %dma_wait3A_470 = tpu.memref_slice %arg3[%arg1, %dma_wait3A_463, %dma_wait3A_468, %dma_wait3A_469] : memref<16x160x2x128xi32, #tpu.memory_space<hbm>> -> memref<1x1x2x128xi32, #tpu.memory_space<hbm>>
        %dma_wait3A_471 = tpu.memref_squeeze %dma_wait3A_470 : memref<1x1x2x128xi32, #tpu.memory_space<hbm>> -> memref<2x128xi32, #tpu.memory_space<hbm>>
        tpu.wait_dma2 semaphore(%arg27 : memref<!tpu.dma_semaphore, #tpu.memory_space<semaphore_mem>>) src(%dma_wait3A_471 : memref<2x128xi32, #tpu.memory_space<hbm>>) dst(%arg15 : memref<2x128xi32, #tpu.memory_space<vmem>>)
        %dma_start3A_472 = arith.constant 0 : i32
        %dma_start3A_473 = arith.constant 0 : i32
        %dma_start3A_474 = tpu.memref_slice %arg15[%dma_start3A_472, %dma_start3A_473] : memref<2x128xi32, #tpu.memory_space<vmem>> -> memref<1x128xi32, #tpu.memory_space<vmem>>
        %dma_start3A_475 = tpu.memref_squeeze %dma_start3A_474 : memref<1x128xi32, #tpu.memory_space<vmem>> -> memref<128xi32, #tpu.memory_space<vmem>>
        %dma_start3A_476 = arith.constant 0 : i32
        %dma_start3A_477 = arith.constant 0 : i32
        %dma_start3A_478 = tpu.memref_slice %arg9[%dma_start3A_476, %dma_start3A_477] : memref<10000x64xf32, #tpu.memory_space<vmem_shared>> -> memref<10000x64xf32, #tpu.memory_space<vmem_shared>>
        tpu.enqueue_indirect_dma source(%dma_start3A_478 : memref<10000x64xf32, #tpu.memory_space<vmem_shared>>) target(%arg19 : memref<128x64xf32, #tpu.memory_space<vmem>>) offsets(%dma_start3A_475 : memref<128xi32, #tpu.memory_space<vmem>>) semaphore(%arg31 : memref<!tpu.dma_semaphore, #tpu.memory_space<semaphore_mem>>)
      } else {
      }
      %ge3A_255 = arith.constant 2 : i32
      %ge3A_256 = arith.cmpi sge, %add3A_226, %ge3A_255 : i32
      %le3A_257 = arith.constant 153 : i32
      %le3A_258 = arith.cmpi sle, %add3A_226, %le3A_257 : i32
      %and3A_259 = arith.andi %ge3A_256, %le3A_258 : i1
      %convert_element_type3A_260 = arith.extui %and3A_259 : i1 to i32
      %cond3A_261 = arith.constant 0 : i32
      %cond3A_262 = arith.cmpi ne, %convert_element_type3A_260, %cond3A_261 : i32
      scf.if %cond3A_262 {
        %add3A_463 = arith.constant 6 : i32
        %add3A_464 = arith.addi %add3A_226, %add3A_463 : i32
        %dma_start3A_465 = arith.constant 0 : i32
        %dma_start3A_466 = arith.constant 0 : i32
        %dma_start3A_467 = tpu.memref_slice %arg3[%arg1, %add3A_464, %dma_start3A_465, %dma_start3A_466] : memref<16x160x2x128xi32, #tpu.memory_space<hbm>> -> memref<1x1x2x128xi32, #tpu.memory_space<hbm>>
        %dma_start3A_468 = tpu.memref_squeeze %dma_start3A_467 : memref<1x1x2x128xi32, #tpu.memory_space<hbm>> -> memref<2x128xi32, #tpu.memory_space<hbm>>
        %dma_start3A_469 = arith.constant 0 : i32
        %dma_start3A_470 = arith.constant 0 : i32
        %dma_start3A_471 = tpu.memref_slice %arg3[%arg1, %add3A_464, %dma_start3A_469, %dma_start3A_470] : memref<16x160x2x128xi32, #tpu.memory_space<hbm>> -> memref<1x1x2x128xi32, #tpu.memory_space<hbm>>
        %dma_start3A_472 = tpu.memref_squeeze %dma_start3A_471 : memref<1x1x2x128xi32, #tpu.memory_space<hbm>> -> memref<2x128xi32, #tpu.memory_space<hbm>>
        tpu.enqueue_dma source(%dma_start3A_472 : memref<2x128xi32, #tpu.memory_space<hbm>>) target(%arg11 : memref<2x128xi32, #tpu.memory_space<vmem>>) target_semaphore(%arg23 : memref<!tpu.dma_semaphore, #tpu.memory_space<semaphore_mem>>)
      } else {
      }
      %mul3A_263 = arith.constant 8 : i32
      %mul3A_264 = arith.muli %scan3A_146, %mul3A_263 : i32
      %add3A_265 = arith.constant 3 : i32
      %add3A_266 = arith.addi %mul3A_264, %add3A_265 : i32
      %dma_wait3A_267 = arith.constant 0 : i32
      %dma_wait3A_268 = arith.constant 0 : i32
      %dma_wait3A_269 = tpu.memref_slice %arg9[%dma_wait3A_267, %dma_wait3A_268] : memref<10000x64xf32, #tpu.memory_space<vmem_shared>> -> memref<128x64xf32, #tpu.memory_space<vmem_shared>>
      %dma_wait3A_270 = arith.constant 0 : i32
      %dma_wait3A_271 = arith.constant 0 : i32
      %dma_wait3A_272 = tpu.memref_slice %arg9[%dma_wait3A_270, %dma_wait3A_271] : memref<10000x64xf32, #tpu.memory_space<vmem_shared>> -> memref<128x64xf32, #tpu.memory_space<vmem_shared>>
      tpu.wait_dma2 semaphore(%arg34 : memref<!tpu.dma_semaphore, #tpu.memory_space<semaphore_mem>>) src(%dma_wait3A_272 : memref<128x64xf32, #tpu.memory_space<vmem_shared>>) dst(%arg22 : memref<128x64xf32, #tpu.memory_space<vmem>>)
      %dma_start3A_273 = arith.constant 1 : i32
      %dma_start3A_274 = arith.constant 0 : i32
      %dma_start3A_275 = tpu.memref_slice %arg14[%dma_start3A_273, %dma_start3A_274] : memref<2x128xi32, #tpu.memory_space<vmem>> -> memref<1x128xi32, #tpu.memory_space<vmem>>
      %dma_start3A_276 = tpu.memref_squeeze %dma_start3A_275 : memref<1x128xi32, #tpu.memory_space<vmem>> -> memref<128xi32, #tpu.memory_space<vmem>>
      %dma_start3A_277 = arith.constant 0 : i32
      %dma_start3A_278 = arith.constant 0 : i32
      %dma_start3A_279 = tpu.memref_slice %arg8[%dma_start3A_277, %dma_start3A_278] : memref<10112x64xf32, #tpu.memory_space<vmem_shared>> -> memref<10112x64xf32, #tpu.memory_space<vmem_shared>>
      tpu.enqueue_indirect_dma source(%arg22 : memref<128x64xf32, #tpu.memory_space<vmem>>) target(%dma_start3A_279 : memref<10112x64xf32, #tpu.memory_space<vmem_shared>>) offsets(%dma_start3A_276 : memref<128xi32, #tpu.memory_space<vmem>>) semaphore(%arg38 : memref<!tpu.dma_semaphore, #tpu.memory_space<semaphore_mem>>) {add = true}
      %eq3A_280 = arith.constant 0 : i32
      %eq3A_281 = arith.cmpi eq, %arg0, %eq3A_280 : i32
      %convert_element_type3A_282 = arith.extui %eq3A_281 : i1 to i32
      %cond3A_283 = arith.constant 0 : i32
      %cond3A_284 = arith.cmpi ne, %convert_element_type3A_282, %cond3A_283 : i32
      scf.if %cond3A_284 {
        %get3A = arith.constant 1 : i32
        %get3A_463 = arith.index_cast %get3A : i32 to index
        %get3A_464 = arith.constant 0 : index
        %get3A_465 = tpu.vector_load %arg14[%get3A_463, %get3A_464] {strides = array<i32>} : memref<2x128xi32, #tpu.memory_space<vmem>>, vector<16xi32>,
        tpu.vector_store_idx %arg10[%get3A_465], %broadcast_in_dim3A_116 {add = true} : memref<10112xf32, #tpu.memory_space<vmem>>[vector<16xi32>], vector<16xf32>,
        %get3A_466 = arith.constant 1 : i32
        %get3A_467 = arith.index_cast %get3A_466 : i32 to index
        %get3A_468 = arith.constant 16 : index
        %get3A_469 = tpu.vector_load %arg14[%get3A_467, %get3A_468] {strides = array<i32>} : memref<2x128xi32, #tpu.memory_space<vmem>>, vector<16xi32>,
        tpu.vector_store_idx %arg10[%get3A_469], %broadcast_in_dim3A_116 {add = true} : memref<10112xf32, #tpu.memory_space<vmem>>[vector<16xi32>], vector<16xf32>,
        %get3A_470 = arith.constant 1 : i32
        %get3A_471 = arith.index_cast %get3A_470 : i32 to index
        %get3A_472 = arith.constant 32 : index
        %get3A_473 = tpu.vector_load %arg14[%get3A_471, %get3A_472] {strides = array<i32>} : memref<2x128xi32, #tpu.memory_space<vmem>>, vector<16xi32>,
        tpu.vector_store_idx %arg10[%get3A_473], %broadcast_in_dim3A_116 {add = true} : memref<10112xf32, #tpu.memory_space<vmem>>[vector<16xi32>], vector<16xf32>,
        %get3A_474 = arith.constant 1 : i32
        %get3A_475 = arith.index_cast %get3A_474 : i32 to index
        %get3A_476 = arith.constant 48 : index
        %get3A_477 = tpu.vector_load %arg14[%get3A_475, %get3A_476] {strides = array<i32>} : memref<2x128xi32, #tpu.memory_space<vmem>>, vector<16xi32>,
        tpu.vector_store_idx %arg10[%get3A_477], %broadcast_in_dim3A_116 {add = true} : memref<10112xf32, #tpu.memory_space<vmem>>[vector<16xi32>], vector<16xf32>,
        %get3A_478 = arith.constant 1 : i32
        %get3A_479 = arith.index_cast %get3A_478 : i32 to index
        %get3A_480 = arith.constant 64 : index
        %get3A_481 = tpu.vector_load %arg14[%get3A_479, %get3A_480] {strides = array<i32>} : memref<2x128xi32, #tpu.memory_space<vmem>>, vector<16xi32>,
        tpu.vector_store_idx %arg10[%get3A_481], %broadcast_in_dim3A_116 {add = true} : memref<10112xf32, #tpu.memory_space<vmem>>[vector<16xi32>], vector<16xf32>,
        %get3A_482 = arith.constant 1 : i32
        %get3A_483 = arith.index_cast %get3A_482 : i32 to index
        %get3A_484 = arith.constant 80 : index
        %get3A_485 = tpu.vector_load %arg14[%get3A_483, %get3A_484] {strides = array<i32>} : memref<2x128xi32, #tpu.memory_space<vmem>>, vector<16xi32>,
        tpu.vector_store_idx %arg10[%get3A_485], %broadcast_in_dim3A_116 {add = true} : memref<10112xf32, #tpu.memory_space<vmem>>[vector<16xi32>], vector<16xf32>,
        %get3A_486 = arith.constant 1 : i32
        %get3A_487 = arith.index_cast %get3A_486 : i32 to index
        %get3A_488 = arith.constant 96 : index
        %get3A_489 = tpu.vector_load %arg14[%get3A_487, %get3A_488] {strides = array<i32>} : memref<2x128xi32, #tpu.memory_space<vmem>>, vector<16xi32>,
        tpu.vector_store_idx %arg10[%get3A_489], %broadcast_in_dim3A_116 {add = true} : memref<10112xf32, #tpu.memory_space<vmem>>[vector<16xi32>], vector<16xf32>,
        %get3A_490 = arith.constant 1 : i32
        %get3A_491 = arith.index_cast %get3A_490 : i32 to index
        %get3A_492 = arith.constant 112 : index
        %get3A_493 = tpu.vector_load %arg14[%get3A_491, %get3A_492] {strides = array<i32>} : memref<2x128xi32, #tpu.memory_space<vmem>>, vector<16xi32>,
        tpu.vector_store_idx %arg10[%get3A_493], %broadcast_in_dim3A_116 {add = true} : memref<10112xf32, #tpu.memory_space<vmem>>[vector<16xi32>], vector<16xf32>,
      } else {
      }
      %ge3A_285 = arith.constant 2 : i32
      %ge3A_286 = arith.cmpi sge, %add3A_266, %ge3A_285 : i32
      %convert_element_type3A_287 = arith.extui %ge3A_286 : i1 to i32
      %cond3A_288 = arith.constant 0 : i32
      %cond3A_289 = arith.cmpi ne, %convert_element_type3A_287, %cond3A_288 : i32
      scf.if %cond3A_289 {
        %dma_wait3A_463 = arith.constant 1 : i32
        %dma_wait3A_464 = arith.constant 0 : i32
        %dma_wait3A_465 = tpu.memref_slice %arg12[%dma_wait3A_463, %dma_wait3A_464] : memref<2x128xi32, #tpu.memory_space<vmem>> -> memref<1x128xi32, #tpu.memory_space<vmem>>
        %dma_wait3A_466 = tpu.memref_squeeze %dma_wait3A_465 : memref<1x128xi32, #tpu.memory_space<vmem>> -> memref<128xi32, #tpu.memory_space<vmem>>
        %dma_wait3A_467 = arith.constant 0 : i32
        %dma_wait3A_468 = arith.constant 0 : i32
        %dma_wait3A_469 = tpu.memref_slice %arg8[%dma_wait3A_467, %dma_wait3A_468] : memref<10112x64xf32, #tpu.memory_space<vmem_shared>> -> memref<10112x64xf32, #tpu.memory_space<vmem_shared>>
        tpu.wait_indirect_dma semaphore(%arg36 : memref<!tpu.dma_semaphore, #tpu.memory_space<semaphore_mem>>) src(%arg20 : memref<128x64xf32, #tpu.memory_space<vmem>>) dst(%dma_wait3A_469 : memref<10112x64xf32, #tpu.memory_space<vmem_shared>>)
      } else {
      }
      %lt3A_290 = arith.constant 158 : i32
      %lt3A_291 = arith.cmpi slt, %add3A_266, %lt3A_290 : i32
      %convert_element_type3A_292 = arith.extui %lt3A_291 : i1 to i32
      %cond3A_293 = arith.constant 0 : i32
      %cond3A_294 = arith.cmpi ne, %convert_element_type3A_292, %cond3A_293 : i32
      scf.if %cond3A_294 {
        %dma_wait3A_463 = arith.constant 0 : i32
        %dma_wait3A_464 = arith.constant 0 : i32
        %dma_wait3A_465 = arith.constant 0 : i32
        %dma_wait3A_466 = tpu.memref_slice %arg3[%arg1, %dma_wait3A_463, %dma_wait3A_464, %dma_wait3A_465] : memref<16x160x2x128xi32, #tpu.memory_space<hbm>> -> memref<1x1x2x128xi32, #tpu.memory_space<hbm>>
        %dma_wait3A_467 = tpu.memref_squeeze %dma_wait3A_466 : memref<1x1x2x128xi32, #tpu.memory_space<hbm>> -> memref<2x128xi32, #tpu.memory_space<hbm>>
        %dma_wait3A_468 = arith.constant 0 : i32
        %dma_wait3A_469 = arith.constant 0 : i32
        %dma_wait3A_470 = tpu.memref_slice %arg3[%arg1, %dma_wait3A_463, %dma_wait3A_468, %dma_wait3A_469] : memref<16x160x2x128xi32, #tpu.memory_space<hbm>> -> memref<1x1x2x128xi32, #tpu.memory_space<hbm>>
        %dma_wait3A_471 = tpu.memref_squeeze %dma_wait3A_470 : memref<1x1x2x128xi32, #tpu.memory_space<hbm>> -> memref<2x128xi32, #tpu.memory_space<hbm>>
        tpu.wait_dma2 semaphore(%arg28 : memref<!tpu.dma_semaphore, #tpu.memory_space<semaphore_mem>>) src(%dma_wait3A_471 : memref<2x128xi32, #tpu.memory_space<hbm>>) dst(%arg16 : memref<2x128xi32, #tpu.memory_space<vmem>>)
        %dma_start3A_472 = arith.constant 0 : i32
        %dma_start3A_473 = arith.constant 0 : i32
        %dma_start3A_474 = tpu.memref_slice %arg16[%dma_start3A_472, %dma_start3A_473] : memref<2x128xi32, #tpu.memory_space<vmem>> -> memref<1x128xi32, #tpu.memory_space<vmem>>
        %dma_start3A_475 = tpu.memref_squeeze %dma_start3A_474 : memref<1x128xi32, #tpu.memory_space<vmem>> -> memref<128xi32, #tpu.memory_space<vmem>>
        %dma_start3A_476 = arith.constant 0 : i32
        %dma_start3A_477 = arith.constant 0 : i32
        %dma_start3A_478 = tpu.memref_slice %arg9[%dma_start3A_476, %dma_start3A_477] : memref<10000x64xf32, #tpu.memory_space<vmem_shared>> -> memref<10000x64xf32, #tpu.memory_space<vmem_shared>>
        tpu.enqueue_indirect_dma source(%dma_start3A_478 : memref<10000x64xf32, #tpu.memory_space<vmem_shared>>) target(%arg20 : memref<128x64xf32, #tpu.memory_space<vmem>>) offsets(%dma_start3A_475 : memref<128xi32, #tpu.memory_space<vmem>>) semaphore(%arg32 : memref<!tpu.dma_semaphore, #tpu.memory_space<semaphore_mem>>)
      } else {
      }
      %ge3A_295 = arith.constant 2 : i32
      %ge3A_296 = arith.cmpi sge, %add3A_266, %ge3A_295 : i32
      %le3A_297 = arith.constant 153 : i32
      %le3A_298 = arith.cmpi sle, %add3A_266, %le3A_297 : i32
      %and3A_299 = arith.andi %ge3A_296, %le3A_298 : i1
      %convert_element_type3A_300 = arith.extui %and3A_299 : i1 to i32
      %cond3A_301 = arith.constant 0 : i32
      %cond3A_302 = arith.cmpi ne, %convert_element_type3A_300, %cond3A_301 : i32
      scf.if %cond3A_302 {
        %add3A_463 = arith.constant 6 : i32
        %add3A_464 = arith.addi %add3A_266, %add3A_463 : i32
        %dma_start3A_465 = arith.constant 0 : i32
        %dma_start3A_466 = arith.constant 0 : i32
        %dma_start3A_467 = tpu.memref_slice %arg3[%arg1, %add3A_464, %dma_start3A_465, %dma_start3A_466] : memref<16x160x2x128xi32, #tpu.memory_space<hbm>> -> memref<1x1x2x128xi32, #tpu.memory_space<hbm>>
        %dma_start3A_468 = tpu.memref_squeeze %dma_start3A_467 : memref<1x1x2x128xi32, #tpu.memory_space<hbm>> -> memref<2x128xi32, #tpu.memory_space<hbm>>
        %dma_start3A_469 = arith.constant 0 : i32
        %dma_start3A_470 = arith.constant 0 : i32
        %dma_start3A_471 = tpu.memref_slice %arg3[%arg1, %add3A_464, %dma_start3A_469, %dma_start3A_470] : memref<16x160x2x128xi32, #tpu.memory_space<hbm>> -> memref<1x1x2x128xi32, #tpu.memory_space<hbm>>
        %dma_start3A_472 = tpu.memref_squeeze %dma_start3A_471 : memref<1x1x2x128xi32, #tpu.memory_space<hbm>> -> memref<2x128xi32, #tpu.memory_space<hbm>>
        tpu.enqueue_dma source(%dma_start3A_472 : memref<2x128xi32, #tpu.memory_space<hbm>>) target(%arg12 : memref<2x128xi32, #tpu.memory_space<vmem>>) target_semaphore(%arg24 : memref<!tpu.dma_semaphore, #tpu.memory_space<semaphore_mem>>)
      } else {
      }
      %mul3A_303 = arith.constant 8 : i32
      %mul3A_304 = arith.muli %scan3A_146, %mul3A_303 : i32
      %add3A_305 = arith.constant 4 : i32
      %add3A_306 = arith.addi %mul3A_304, %add3A_305 : i32
      %dma_wait3A_307 = arith.constant 0 : i32
      %dma_wait3A_308 = arith.constant 0 : i32
      %dma_wait3A_309 = tpu.memref_slice %arg9[%dma_wait3A_307, %dma_wait3A_308] : memref<10000x64xf32, #tpu.memory_space<vmem_shared>> -> memref<128x64xf32, #tpu.memory_space<vmem_shared>>
      %dma_wait3A_310 = arith.constant 0 : i32
      %dma_wait3A_311 = arith.constant 0 : i32
      %dma_wait3A_312 = tpu.memref_slice %arg9[%dma_wait3A_310, %dma_wait3A_311] : memref<10000x64xf32, #tpu.memory_space<vmem_shared>> -> memref<128x64xf32, #tpu.memory_space<vmem_shared>>
      tpu.wait_dma2 semaphore(%arg31 : memref<!tpu.dma_semaphore, #tpu.memory_space<semaphore_mem>>) src(%dma_wait3A_312 : memref<128x64xf32, #tpu.memory_space<vmem_shared>>) dst(%arg19 : memref<128x64xf32, #tpu.memory_space<vmem>>)
      %dma_start3A_313 = arith.constant 1 : i32
      %dma_start3A_314 = arith.constant 0 : i32
      %dma_start3A_315 = tpu.memref_slice %arg15[%dma_start3A_313, %dma_start3A_314] : memref<2x128xi32, #tpu.memory_space<vmem>> -> memref<1x128xi32, #tpu.memory_space<vmem>>
      %dma_start3A_316 = tpu.memref_squeeze %dma_start3A_315 : memref<1x128xi32, #tpu.memory_space<vmem>> -> memref<128xi32, #tpu.memory_space<vmem>>
      %dma_start3A_317 = arith.constant 0 : i32
      %dma_start3A_318 = arith.constant 0 : i32
      %dma_start3A_319 = tpu.memref_slice %arg8[%dma_start3A_317, %dma_start3A_318] : memref<10112x64xf32, #tpu.memory_space<vmem_shared>> -> memref<10112x64xf32, #tpu.memory_space<vmem_shared>>
      tpu.enqueue_indirect_dma source(%arg19 : memref<128x64xf32, #tpu.memory_space<vmem>>) target(%dma_start3A_319 : memref<10112x64xf32, #tpu.memory_space<vmem_shared>>) offsets(%dma_start3A_316 : memref<128xi32, #tpu.memory_space<vmem>>) semaphore(%arg35 : memref<!tpu.dma_semaphore, #tpu.memory_space<semaphore_mem>>) {add = true}
      %eq3A_320 = arith.constant 0 : i32
      %eq3A_321 = arith.cmpi eq, %arg0, %eq3A_320 : i32
      %convert_element_type3A_322 = arith.extui %eq3A_321 : i1 to i32
      %cond3A_323 = arith.constant 0 : i32
      %cond3A_324 = arith.cmpi ne, %convert_element_type3A_322, %cond3A_323 : i32
      scf.if %cond3A_324 {
        %get3A = arith.constant 1 : i32
        %get3A_463 = arith.index_cast %get3A : i32 to index
        %get3A_464 = arith.constant 0 : index
        %get3A_465 = tpu.vector_load %arg15[%get3A_463, %get3A_464] {strides = array<i32>} : memref<2x128xi32, #tpu.memory_space<vmem>>, vector<16xi32>,
        tpu.vector_store_idx %arg10[%get3A_465], %broadcast_in_dim3A_116 {add = true} : memref<10112xf32, #tpu.memory_space<vmem>>[vector<16xi32>], vector<16xf32>,
        %get3A_466 = arith.constant 1 : i32
        %get3A_467 = arith.index_cast %get3A_466 : i32 to index
        %get3A_468 = arith.constant 16 : index
        %get3A_469 = tpu.vector_load %arg15[%get3A_467, %get3A_468] {strides = array<i32>} : memref<2x128xi32, #tpu.memory_space<vmem>>, vector<16xi32>,
        tpu.vector_store_idx %arg10[%get3A_469], %broadcast_in_dim3A_116 {add = true} : memref<10112xf32, #tpu.memory_space<vmem>>[vector<16xi32>], vector<16xf32>,
        %get3A_470 = arith.constant 1 : i32
        %get3A_471 = arith.index_cast %get3A_470 : i32 to index
        %get3A_472 = arith.constant 32 : index
        %get3A_473 = tpu.vector_load %arg15[%get3A_471, %get3A_472] {strides = array<i32>} : memref<2x128xi32, #tpu.memory_space<vmem>>, vector<16xi32>,
        tpu.vector_store_idx %arg10[%get3A_473], %broadcast_in_dim3A_116 {add = true} : memref<10112xf32, #tpu.memory_space<vmem>>[vector<16xi32>], vector<16xf32>,
        %get3A_474 = arith.constant 1 : i32
        %get3A_475 = arith.index_cast %get3A_474 : i32 to index
        %get3A_476 = arith.constant 48 : index
        %get3A_477 = tpu.vector_load %arg15[%get3A_475, %get3A_476] {strides = array<i32>} : memref<2x128xi32, #tpu.memory_space<vmem>>, vector<16xi32>,
        tpu.vector_store_idx %arg10[%get3A_477], %broadcast_in_dim3A_116 {add = true} : memref<10112xf32, #tpu.memory_space<vmem>>[vector<16xi32>], vector<16xf32>,
        %get3A_478 = arith.constant 1 : i32
        %get3A_479 = arith.index_cast %get3A_478 : i32 to index
        %get3A_480 = arith.constant 64 : index
        %get3A_481 = tpu.vector_load %arg15[%get3A_479, %get3A_480] {strides = array<i32>} : memref<2x128xi32, #tpu.memory_space<vmem>>, vector<16xi32>,
        tpu.vector_store_idx %arg10[%get3A_481], %broadcast_in_dim3A_116 {add = true} : memref<10112xf32, #tpu.memory_space<vmem>>[vector<16xi32>], vector<16xf32>,
        %get3A_482 = arith.constant 1 : i32
        %get3A_483 = arith.index_cast %get3A_482 : i32 to index
        %get3A_484 = arith.constant 80 : index
        %get3A_485 = tpu.vector_load %arg15[%get3A_483, %get3A_484] {strides = array<i32>} : memref<2x128xi32, #tpu.memory_space<vmem>>, vector<16xi32>,
        tpu.vector_store_idx %arg10[%get3A_485], %broadcast_in_dim3A_116 {add = true} : memref<10112xf32, #tpu.memory_space<vmem>>[vector<16xi32>], vector<16xf32>,
        %get3A_486 = arith.constant 1 : i32
        %get3A_487 = arith.index_cast %get3A_486 : i32 to index
        %get3A_488 = arith.constant 96 : index
        %get3A_489 = tpu.vector_load %arg15[%get3A_487, %get3A_488] {strides = array<i32>} : memref<2x128xi32, #tpu.memory_space<vmem>>, vector<16xi32>,
        tpu.vector_store_idx %arg10[%get3A_489], %broadcast_in_dim3A_116 {add = true} : memref<10112xf32, #tpu.memory_space<vmem>>[vector<16xi32>], vector<16xf32>,
        %get3A_490 = arith.constant 1 : i32
        %get3A_491 = arith.index_cast %get3A_490 : i32 to index
        %get3A_492 = arith.constant 112 : index
        %get3A_493 = tpu.vector_load %arg15[%get3A_491, %get3A_492] {strides = array<i32>} : memref<2x128xi32, #tpu.memory_space<vmem>>, vector<16xi32>,
        tpu.vector_store_idx %arg10[%get3A_493], %broadcast_in_dim3A_116 {add = true} : memref<10112xf32, #tpu.memory_space<vmem>>[vector<16xi32>], vector<16xf32>,
      } else {
      }
      %ge3A_325 = arith.constant 2 : i32
      %ge3A_326 = arith.cmpi sge, %add3A_306, %ge3A_325 : i32
      %convert_element_type3A_327 = arith.extui %ge3A_326 : i1 to i32
      %cond3A_328 = arith.constant 0 : i32
      %cond3A_329 = arith.cmpi ne, %convert_element_type3A_327, %cond3A_328 : i32
      scf.if %cond3A_329 {
        %dma_wait3A_463 = arith.constant 1 : i32
        %dma_wait3A_464 = arith.constant 0 : i32
        %dma_wait3A_465 = tpu.memref_slice %arg13[%dma_wait3A_463, %dma_wait3A_464] : memref<2x128xi32, #tpu.memory_space<vmem>> -> memref<1x128xi32, #tpu.memory_space<vmem>>
        %dma_wait3A_466 = tpu.memref_squeeze %dma_wait3A_465 : memref<1x128xi32, #tpu.memory_space<vmem>> -> memref<128xi32, #tpu.memory_space<vmem>>
        %dma_wait3A_467 = arith.constant 0 : i32
        %dma_wait3A_468 = arith.constant 0 : i32
        %dma_wait3A_469 = tpu.memref_slice %arg8[%dma_wait3A_467, %dma_wait3A_468] : memref<10112x64xf32, #tpu.memory_space<vmem_shared>> -> memref<10112x64xf32, #tpu.memory_space<vmem_shared>>
        tpu.wait_indirect_dma semaphore(%arg37 : memref<!tpu.dma_semaphore, #tpu.memory_space<semaphore_mem>>) src(%arg21 : memref<128x64xf32, #tpu.memory_space<vmem>>) dst(%dma_wait3A_469 : memref<10112x64xf32, #tpu.memory_space<vmem_shared>>)
      } else {
      }
      %lt3A_330 = arith.constant 158 : i32
      %lt3A_331 = arith.cmpi slt, %add3A_306, %lt3A_330 : i32
      %convert_element_type3A_332 = arith.extui %lt3A_331 : i1 to i32
      %cond3A_333 = arith.constant 0 : i32
      %cond3A_334 = arith.cmpi ne, %convert_element_type3A_332, %cond3A_333 : i32
      scf.if %cond3A_334 {
        %dma_wait3A_463 = arith.constant 0 : i32
        %dma_wait3A_464 = arith.constant 0 : i32
        %dma_wait3A_465 = arith.constant 0 : i32
        %dma_wait3A_466 = tpu.memref_slice %arg3[%arg1, %dma_wait3A_463, %dma_wait3A_464, %dma_wait3A_465] : memref<16x160x2x128xi32, #tpu.memory_space<hbm>> -> memref<1x1x2x128xi32, #tpu.memory_space<hbm>>
        %dma_wait3A_467 = tpu.memref_squeeze %dma_wait3A_466 : memref<1x1x2x128xi32, #tpu.memory_space<hbm>> -> memref<2x128xi32, #tpu.memory_space<hbm>>
        %dma_wait3A_468 = arith.constant 0 : i32
        %dma_wait3A_469 = arith.constant 0 : i32
        %dma_wait3A_470 = tpu.memref_slice %arg3[%arg1, %dma_wait3A_463, %dma_wait3A_468, %dma_wait3A_469] : memref<16x160x2x128xi32, #tpu.memory_space<hbm>> -> memref<1x1x2x128xi32, #tpu.memory_space<hbm>>
        %dma_wait3A_471 = tpu.memref_squeeze %dma_wait3A_470 : memref<1x1x2x128xi32, #tpu.memory_space<hbm>> -> memref<2x128xi32, #tpu.memory_space<hbm>>
        tpu.wait_dma2 semaphore(%arg29 : memref<!tpu.dma_semaphore, #tpu.memory_space<semaphore_mem>>) src(%dma_wait3A_471 : memref<2x128xi32, #tpu.memory_space<hbm>>) dst(%arg17 : memref<2x128xi32, #tpu.memory_space<vmem>>)
        %dma_start3A_472 = arith.constant 0 : i32
        %dma_start3A_473 = arith.constant 0 : i32
        %dma_start3A_474 = tpu.memref_slice %arg17[%dma_start3A_472, %dma_start3A_473] : memref<2x128xi32, #tpu.memory_space<vmem>> -> memref<1x128xi32, #tpu.memory_space<vmem>>
        %dma_start3A_475 = tpu.memref_squeeze %dma_start3A_474 : memref<1x128xi32, #tpu.memory_space<vmem>> -> memref<128xi32, #tpu.memory_space<vmem>>
        %dma_start3A_476 = arith.constant 0 : i32
        %dma_start3A_477 = arith.constant 0 : i32
        %dma_start3A_478 = tpu.memref_slice %arg9[%dma_start3A_476, %dma_start3A_477] : memref<10000x64xf32, #tpu.memory_space<vmem_shared>> -> memref<10000x64xf32, #tpu.memory_space<vmem_shared>>
        tpu.enqueue_indirect_dma source(%dma_start3A_478 : memref<10000x64xf32, #tpu.memory_space<vmem_shared>>) target(%arg21 : memref<128x64xf32, #tpu.memory_space<vmem>>) offsets(%dma_start3A_475 : memref<128xi32, #tpu.memory_space<vmem>>) semaphore(%arg33 : memref<!tpu.dma_semaphore, #tpu.memory_space<semaphore_mem>>)
      } else {
      }
      %ge3A_335 = arith.constant 2 : i32
      %ge3A_336 = arith.cmpi sge, %add3A_306, %ge3A_335 : i32
      %le3A_337 = arith.constant 153 : i32
      %le3A_338 = arith.cmpi sle, %add3A_306, %le3A_337 : i32
      %and3A_339 = arith.andi %ge3A_336, %le3A_338 : i1
      %convert_element_type3A_340 = arith.extui %and3A_339 : i1 to i32
      %cond3A_341 = arith.constant 0 : i32
      %cond3A_342 = arith.cmpi ne, %convert_element_type3A_340, %cond3A_341 : i32
      scf.if %cond3A_342 {
        %add3A_463 = arith.constant 6 : i32
        %add3A_464 = arith.addi %add3A_306, %add3A_463 : i32
        %dma_start3A_465 = arith.constant 0 : i32
        %dma_start3A_466 = arith.constant 0 : i32
        %dma_start3A_467 = tpu.memref_slice %arg3[%arg1, %add3A_464, %dma_start3A_465, %dma_start3A_466] : memref<16x160x2x128xi32, #tpu.memory_space<hbm>> -> memref<1x1x2x128xi32, #tpu.memory_space<hbm>>
        %dma_start3A_468 = tpu.memref_squeeze %dma_start3A_467 : memref<1x1x2x128xi32, #tpu.memory_space<hbm>> -> memref<2x128xi32, #tpu.memory_space<hbm>>
        %dma_start3A_469 = arith.constant 0 : i32
        %dma_start3A_470 = arith.constant 0 : i32
        %dma_start3A_471 = tpu.memref_slice %arg3[%arg1, %add3A_464, %dma_start3A_469, %dma_start3A_470] : memref<16x160x2x128xi32, #tpu.memory_space<hbm>> -> memref<1x1x2x128xi32, #tpu.memory_space<hbm>>
        %dma_start3A_472 = tpu.memref_squeeze %dma_start3A_471 : memref<1x1x2x128xi32, #tpu.memory_space<hbm>> -> memref<2x128xi32, #tpu.memory_space<hbm>>
        tpu.enqueue_dma source(%dma_start3A_472 : memref<2x128xi32, #tpu.memory_space<hbm>>) target(%arg13 : memref<2x128xi32, #tpu.memory_space<vmem>>) target_semaphore(%arg25 : memref<!tpu.dma_semaphore, #tpu.memory_space<semaphore_mem>>)
      } else {
      }
      %mul3A_343 = arith.constant 8 : i32
      %mul3A_344 = arith.muli %scan3A_146, %mul3A_343 : i32
      %add3A_345 = arith.constant 5 : i32
      %add3A_346 = arith.addi %mul3A_344, %add3A_345 : i32
      %dma_wait3A_347 = arith.constant 0 : i32
      %dma_wait3A_348 = arith.constant 0 : i32
      %dma_wait3A_349 = tpu.memref_slice %arg9[%dma_wait3A_347, %dma_wait3A_348] : memref<10000x64xf32, #tpu.memory_space<vmem_shared>> -> memref<128x64xf32, #tpu.memory_space<vmem_shared>>
      %dma_wait3A_350 = arith.constant 0 : i32
      %dma_wait3A_351 = arith.constant 0 : i32
      %dma_wait3A_352 = tpu.memref_slice %arg9[%dma_wait3A_350, %dma_wait3A_351] : memref<10000x64xf32, #tpu.memory_space<vmem_shared>> -> memref<128x64xf32, #tpu.memory_space<vmem_shared>>
      tpu.wait_dma2 semaphore(%arg32 : memref<!tpu.dma_semaphore, #tpu.memory_space<semaphore_mem>>) src(%dma_wait3A_352 : memref<128x64xf32, #tpu.memory_space<vmem_shared>>) dst(%arg20 : memref<128x64xf32, #tpu.memory_space<vmem>>)
      %dma_start3A_353 = arith.constant 1 : i32
      %dma_start3A_354 = arith.constant 0 : i32
      %dma_start3A_355 = tpu.memref_slice %arg16[%dma_start3A_353, %dma_start3A_354] : memref<2x128xi32, #tpu.memory_space<vmem>> -> memref<1x128xi32, #tpu.memory_space<vmem>>
      %dma_start3A_356 = tpu.memref_squeeze %dma_start3A_355 : memref<1x128xi32, #tpu.memory_space<vmem>> -> memref<128xi32, #tpu.memory_space<vmem>>
      %dma_start3A_357 = arith.constant 0 : i32
      %dma_start3A_358 = arith.constant 0 : i32
      %dma_start3A_359 = tpu.memref_slice %arg8[%dma_start3A_357, %dma_start3A_358] : memref<10112x64xf32, #tpu.memory_space<vmem_shared>> -> memref<10112x64xf32, #tpu.memory_space<vmem_shared>>
      tpu.enqueue_indirect_dma source(%arg20 : memref<128x64xf32, #tpu.memory_space<vmem>>) target(%dma_start3A_359 : memref<10112x64xf32, #tpu.memory_space<vmem_shared>>) offsets(%dma_start3A_356 : memref<128xi32, #tpu.memory_space<vmem>>) semaphore(%arg36 : memref<!tpu.dma_semaphore, #tpu.memory_space<semaphore_mem>>) {add = true}
      %eq3A_360 = arith.constant 0 : i32
      %eq3A_361 = arith.cmpi eq, %arg0, %eq3A_360 : i32
      %convert_element_type3A_362 = arith.extui %eq3A_361 : i1 to i32
      %cond3A_363 = arith.constant 0 : i32
      %cond3A_364 = arith.cmpi ne, %convert_element_type3A_362, %cond3A_363 : i32
      scf.if %cond3A_364 {
        %get3A = arith.constant 1 : i32
        %get3A_463 = arith.index_cast %get3A : i32 to index
        %get3A_464 = arith.constant 0 : index
        %get3A_465 = tpu.vector_load %arg16[%get3A_463, %get3A_464] {strides = array<i32>} : memref<2x128xi32, #tpu.memory_space<vmem>>, vector<16xi32>,
        tpu.vector_store_idx %arg10[%get3A_465], %broadcast_in_dim3A_116 {add = true} : memref<10112xf32, #tpu.memory_space<vmem>>[vector<16xi32>], vector<16xf32>,
        %get3A_466 = arith.constant 1 : i32
        %get3A_467 = arith.index_cast %get3A_466 : i32 to index
        %get3A_468 = arith.constant 16 : index
        %get3A_469 = tpu.vector_load %arg16[%get3A_467, %get3A_468] {strides = array<i32>} : memref<2x128xi32, #tpu.memory_space<vmem>>, vector<16xi32>,
        tpu.vector_store_idx %arg10[%get3A_469], %broadcast_in_dim3A_116 {add = true} : memref<10112xf32, #tpu.memory_space<vmem>>[vector<16xi32>], vector<16xf32>,
        %get3A_470 = arith.constant 1 : i32
        %get3A_471 = arith.index_cast %get3A_470 : i32 to index
        %get3A_472 = arith.constant 32 : index
        %get3A_473 = tpu.vector_load %arg16[%get3A_471, %get3A_472] {strides = array<i32>} : memref<2x128xi32, #tpu.memory_space<vmem>>, vector<16xi32>,
        tpu.vector_store_idx %arg10[%get3A_473], %broadcast_in_dim3A_116 {add = true} : memref<10112xf32, #tpu.memory_space<vmem>>[vector<16xi32>], vector<16xf32>,
        %get3A_474 = arith.constant 1 : i32
        %get3A_475 = arith.index_cast %get3A_474 : i32 to index
        %get3A_476 = arith.constant 48 : index
        %get3A_477 = tpu.vector_load %arg16[%get3A_475, %get3A_476] {strides = array<i32>} : memref<2x128xi32, #tpu.memory_space<vmem>>, vector<16xi32>,
        tpu.vector_store_idx %arg10[%get3A_477], %broadcast_in_dim3A_116 {add = true} : memref<10112xf32, #tpu.memory_space<vmem>>[vector<16xi32>], vector<16xf32>,
        %get3A_478 = arith.constant 1 : i32
        %get3A_479 = arith.index_cast %get3A_478 : i32 to index
        %get3A_480 = arith.constant 64 : index
        %get3A_481 = tpu.vector_load %arg16[%get3A_479, %get3A_480] {strides = array<i32>} : memref<2x128xi32, #tpu.memory_space<vmem>>, vector<16xi32>,
        tpu.vector_store_idx %arg10[%get3A_481], %broadcast_in_dim3A_116 {add = true} : memref<10112xf32, #tpu.memory_space<vmem>>[vector<16xi32>], vector<16xf32>,
        %get3A_482 = arith.constant 1 : i32
        %get3A_483 = arith.index_cast %get3A_482 : i32 to index
        %get3A_484 = arith.constant 80 : index
        %get3A_485 = tpu.vector_load %arg16[%get3A_483, %get3A_484] {strides = array<i32>} : memref<2x128xi32, #tpu.memory_space<vmem>>, vector<16xi32>,
        tpu.vector_store_idx %arg10[%get3A_485], %broadcast_in_dim3A_116 {add = true} : memref<10112xf32, #tpu.memory_space<vmem>>[vector<16xi32>], vector<16xf32>,
        %get3A_486 = arith.constant 1 : i32
        %get3A_487 = arith.index_cast %get3A_486 : i32 to index
        %get3A_488 = arith.constant 96 : index
        %get3A_489 = tpu.vector_load %arg16[%get3A_487, %get3A_488] {strides = array<i32>} : memref<2x128xi32, #tpu.memory_space<vmem>>, vector<16xi32>,
        tpu.vector_store_idx %arg10[%get3A_489], %broadcast_in_dim3A_116 {add = true} : memref<10112xf32, #tpu.memory_space<vmem>>[vector<16xi32>], vector<16xf32>,
        %get3A_490 = arith.constant 1 : i32
        %get3A_491 = arith.index_cast %get3A_490 : i32 to index
        %get3A_492 = arith.constant 112 : index
        %get3A_493 = tpu.vector_load %arg16[%get3A_491, %get3A_492] {strides = array<i32>} : memref<2x128xi32, #tpu.memory_space<vmem>>, vector<16xi32>,
        tpu.vector_store_idx %arg10[%get3A_493], %broadcast_in_dim3A_116 {add = true} : memref<10112xf32, #tpu.memory_space<vmem>>[vector<16xi32>], vector<16xf32>,
      } else {
      }
      %ge3A_365 = arith.constant 2 : i32
      %ge3A_366 = arith.cmpi sge, %add3A_346, %ge3A_365 : i32
      %convert_element_type3A_367 = arith.extui %ge3A_366 : i1 to i32
      %cond3A_368 = arith.constant 0 : i32
      %cond3A_369 = arith.cmpi ne, %convert_element_type3A_367, %cond3A_368 : i32
      scf.if %cond3A_369 {
        %dma_wait3A_463 = arith.constant 1 : i32
        %dma_wait3A_464 = arith.constant 0 : i32
        %dma_wait3A_465 = tpu.memref_slice %arg14[%dma_wait3A_463, %dma_wait3A_464] : memref<2x128xi32, #tpu.memory_space<vmem>> -> memref<1x128xi32, #tpu.memory_space<vmem>>
        %dma_wait3A_466 = tpu.memref_squeeze %dma_wait3A_465 : memref<1x128xi32, #tpu.memory_space<vmem>> -> memref<128xi32, #tpu.memory_space<vmem>>
        %dma_wait3A_467 = arith.constant 0 : i32
        %dma_wait3A_468 = arith.constant 0 : i32
        %dma_wait3A_469 = tpu.memref_slice %arg8[%dma_wait3A_467, %dma_wait3A_468] : memref<10112x64xf32, #tpu.memory_space<vmem_shared>> -> memref<10112x64xf32, #tpu.memory_space<vmem_shared>>
        tpu.wait_indirect_dma semaphore(%arg38 : memref<!tpu.dma_semaphore, #tpu.memory_space<semaphore_mem>>) src(%arg22 : memref<128x64xf32, #tpu.memory_space<vmem>>) dst(%dma_wait3A_469 : memref<10112x64xf32, #tpu.memory_space<vmem_shared>>)
      } else {
      }
      %lt3A_370 = arith.constant 158 : i32
      %lt3A_371 = arith.cmpi slt, %add3A_346, %lt3A_370 : i32
      %convert_element_type3A_372 = arith.extui %lt3A_371 : i1 to i32
      %cond3A_373 = arith.constant 0 : i32
      %cond3A_374 = arith.cmpi ne, %convert_element_type3A_372, %cond3A_373 : i32
      scf.if %cond3A_374 {
        %dma_wait3A_463 = arith.constant 0 : i32
        %dma_wait3A_464 = arith.constant 0 : i32
        %dma_wait3A_465 = arith.constant 0 : i32
        %dma_wait3A_466 = tpu.memref_slice %arg3[%arg1, %dma_wait3A_463, %dma_wait3A_464, %dma_wait3A_465] : memref<16x160x2x128xi32, #tpu.memory_space<hbm>> -> memref<1x1x2x128xi32, #tpu.memory_space<hbm>>
        %dma_wait3A_467 = tpu.memref_squeeze %dma_wait3A_466 : memref<1x1x2x128xi32, #tpu.memory_space<hbm>> -> memref<2x128xi32, #tpu.memory_space<hbm>>
        %dma_wait3A_468 = arith.constant 0 : i32
        %dma_wait3A_469 = arith.constant 0 : i32
        %dma_wait3A_470 = tpu.memref_slice %arg3[%arg1, %dma_wait3A_463, %dma_wait3A_468, %dma_wait3A_469] : memref<16x160x2x128xi32, #tpu.memory_space<hbm>> -> memref<1x1x2x128xi32, #tpu.memory_space<hbm>>
        %dma_wait3A_471 = tpu.memref_squeeze %dma_wait3A_470 : memref<1x1x2x128xi32, #tpu.memory_space<hbm>> -> memref<2x128xi32, #tpu.memory_space<hbm>>
        tpu.wait_dma2 semaphore(%arg30 : memref<!tpu.dma_semaphore, #tpu.memory_space<semaphore_mem>>) src(%dma_wait3A_471 : memref<2x128xi32, #tpu.memory_space<hbm>>) dst(%arg18 : memref<2x128xi32, #tpu.memory_space<vmem>>)
        %dma_start3A_472 = arith.constant 0 : i32
        %dma_start3A_473 = arith.constant 0 : i32
        %dma_start3A_474 = tpu.memref_slice %arg18[%dma_start3A_472, %dma_start3A_473] : memref<2x128xi32, #tpu.memory_space<vmem>> -> memref<1x128xi32, #tpu.memory_space<vmem>>
        %dma_start3A_475 = tpu.memref_squeeze %dma_start3A_474 : memref<1x128xi32, #tpu.memory_space<vmem>> -> memref<128xi32, #tpu.memory_space<vmem>>
        %dma_start3A_476 = arith.constant 0 : i32
        %dma_start3A_477 = arith.constant 0 : i32
        %dma_start3A_478 = tpu.memref_slice %arg9[%dma_start3A_476, %dma_start3A_477] : memref<10000x64xf32, #tpu.memory_space<vmem_shared>> -> memref<10000x64xf32, #tpu.memory_space<vmem_shared>>
        tpu.enqueue_indirect_dma source(%dma_start3A_478 : memref<10000x64xf32, #tpu.memory_space<vmem_shared>>) target(%arg22 : memref<128x64xf32, #tpu.memory_space<vmem>>) offsets(%dma_start3A_475 : memref<128xi32, #tpu.memory_space<vmem>>) semaphore(%arg34 : memref<!tpu.dma_semaphore, #tpu.memory_space<semaphore_mem>>)
      } else {
      }
      %ge3A_375 = arith.constant 2 : i32
      %ge3A_376 = arith.cmpi sge, %add3A_346, %ge3A_375 : i32
      %le3A_377 = arith.constant 153 : i32
      %le3A_378 = arith.cmpi sle, %add3A_346, %le3A_377 : i32
      %and3A_379 = arith.andi %ge3A_376, %le3A_378 : i1
      %convert_element_type3A_380 = arith.extui %and3A_379 : i1 to i32
      %cond3A_381 = arith.constant 0 : i32
      %cond3A_382 = arith.cmpi ne, %convert_element_type3A_380, %cond3A_381 : i32
      scf.if %cond3A_382 {
        %add3A_463 = arith.constant 6 : i32
        %add3A_464 = arith.addi %add3A_346, %add3A_463 : i32
        %dma_start3A_465 = arith.constant 0 : i32
        %dma_start3A_466 = arith.constant 0 : i32
        %dma_start3A_467 = tpu.memref_slice %arg3[%arg1, %add3A_464, %dma_start3A_465, %dma_start3A_466] : memref<16x160x2x128xi32, #tpu.memory_space<hbm>> -> memref<1x1x2x128xi32, #tpu.memory_space<hbm>>
        %dma_start3A_468 = tpu.memref_squeeze %dma_start3A_467 : memref<1x1x2x128xi32, #tpu.memory_space<hbm>> -> memref<2x128xi32, #tpu.memory_space<hbm>>
        %dma_start3A_469 = arith.constant 0 : i32
        %dma_start3A_470 = arith.constant 0 : i32
        %dma_start3A_471 = tpu.memref_slice %arg3[%arg1, %add3A_464, %dma_start3A_469, %dma_start3A_470] : memref<16x160x2x128xi32, #tpu.memory_space<hbm>> -> memref<1x1x2x128xi32, #tpu.memory_space<hbm>>
        %dma_start3A_472 = tpu.memref_squeeze %dma_start3A_471 : memref<1x1x2x128xi32, #tpu.memory_space<hbm>> -> memref<2x128xi32, #tpu.memory_space<hbm>>
        tpu.enqueue_dma source(%dma_start3A_472 : memref<2x128xi32, #tpu.memory_space<hbm>>) target(%arg14 : memref<2x128xi32, #tpu.memory_space<vmem>>) target_semaphore(%arg26 : memref<!tpu.dma_semaphore, #tpu.memory_space<semaphore_mem>>)
      } else {
      }
      %mul3A_383 = arith.constant 8 : i32
      %mul3A_384 = arith.muli %scan3A_146, %mul3A_383 : i32
      %add3A_385 = arith.constant 6 : i32
      %add3A_386 = arith.addi %mul3A_384, %add3A_385 : i32
      %dma_wait3A_387 = arith.constant 0 : i32
      %dma_wait3A_388 = arith.constant 0 : i32
      %dma_wait3A_389 = tpu.memref_slice %arg9[%dma_wait3A_387, %dma_wait3A_388] : memref<10000x64xf32, #tpu.memory_space<vmem_shared>> -> memref<128x64xf32, #tpu.memory_space<vmem_shared>>
      %dma_wait3A_390 = arith.constant 0 : i32
      %dma_wait3A_391 = arith.constant 0 : i32
      %dma_wait3A_392 = tpu.memref_slice %arg9[%dma_wait3A_390, %dma_wait3A_391] : memref<10000x64xf32, #tpu.memory_space<vmem_shared>> -> memref<128x64xf32, #tpu.memory_space<vmem_shared>>
      tpu.wait_dma2 semaphore(%arg33 : memref<!tpu.dma_semaphore, #tpu.memory_space<semaphore_mem>>) src(%dma_wait3A_392 : memref<128x64xf32, #tpu.memory_space<vmem_shared>>) dst(%arg21 : memref<128x64xf32, #tpu.memory_space<vmem>>)
      %dma_start3A_393 = arith.constant 1 : i32
      %dma_start3A_394 = arith.constant 0 : i32
      %dma_start3A_395 = tpu.memref_slice %arg17[%dma_start3A_393, %dma_start3A_394] : memref<2x128xi32, #tpu.memory_space<vmem>> -> memref<1x128xi32, #tpu.memory_space<vmem>>
      %dma_start3A_396 = tpu.memref_squeeze %dma_start3A_395 : memref<1x128xi32, #tpu.memory_space<vmem>> -> memref<128xi32, #tpu.memory_space<vmem>>
      %dma_start3A_397 = arith.constant 0 : i32
      %dma_start3A_398 = arith.constant 0 : i32
      %dma_start3A_399 = tpu.memref_slice %arg8[%dma_start3A_397, %dma_start3A_398] : memref<10112x64xf32, #tpu.memory_space<vmem_shared>> -> memref<10112x64xf32, #tpu.memory_space<vmem_shared>>
      tpu.enqueue_indirect_dma source(%arg21 : memref<128x64xf32, #tpu.memory_space<vmem>>) target(%dma_start3A_399 : memref<10112x64xf32, #tpu.memory_space<vmem_shared>>) offsets(%dma_start3A_396 : memref<128xi32, #tpu.memory_space<vmem>>) semaphore(%arg37 : memref<!tpu.dma_semaphore, #tpu.memory_space<semaphore_mem>>) {add = true}
      %eq3A_400 = arith.constant 0 : i32
      %eq3A_401 = arith.cmpi eq, %arg0, %eq3A_400 : i32
      %convert_element_type3A_402 = arith.extui %eq3A_401 : i1 to i32
      %cond3A_403 = arith.constant 0 : i32
      %cond3A_404 = arith.cmpi ne, %convert_element_type3A_402, %cond3A_403 : i32
      scf.if %cond3A_404 {
        %get3A = arith.constant 1 : i32
        %get3A_463 = arith.index_cast %get3A : i32 to index
        %get3A_464 = arith.constant 0 : index
        %get3A_465 = tpu.vector_load %arg17[%get3A_463, %get3A_464] {strides = array<i32>} : memref<2x128xi32, #tpu.memory_space<vmem>>, vector<16xi32>,
        tpu.vector_store_idx %arg10[%get3A_465], %broadcast_in_dim3A_116 {add = true} : memref<10112xf32, #tpu.memory_space<vmem>>[vector<16xi32>], vector<16xf32>,
        %get3A_466 = arith.constant 1 : i32
        %get3A_467 = arith.index_cast %get3A_466 : i32 to index
        %get3A_468 = arith.constant 16 : index
        %get3A_469 = tpu.vector_load %arg17[%get3A_467, %get3A_468] {strides = array<i32>} : memref<2x128xi32, #tpu.memory_space<vmem>>, vector<16xi32>,
        tpu.vector_store_idx %arg10[%get3A_469], %broadcast_in_dim3A_116 {add = true} : memref<10112xf32, #tpu.memory_space<vmem>>[vector<16xi32>], vector<16xf32>,
        %get3A_470 = arith.constant 1 : i32
        %get3A_471 = arith.index_cast %get3A_470 : i32 to index
        %get3A_472 = arith.constant 32 : index
        %get3A_473 = tpu.vector_load %arg17[%get3A_471, %get3A_472] {strides = array<i32>} : memref<2x128xi32, #tpu.memory_space<vmem>>, vector<16xi32>,
        tpu.vector_store_idx %arg10[%get3A_473], %broadcast_in_dim3A_116 {add = true} : memref<10112xf32, #tpu.memory_space<vmem>>[vector<16xi32>], vector<16xf32>,
        %get3A_474 = arith.constant 1 : i32
        %get3A_475 = arith.index_cast %get3A_474 : i32 to index
        %get3A_476 = arith.constant 48 : index
        %get3A_477 = tpu.vector_load %arg17[%get3A_475, %get3A_476] {strides = array<i32>} : memref<2x128xi32, #tpu.memory_space<vmem>>, vector<16xi32>,
        tpu.vector_store_idx %arg10[%get3A_477], %broadcast_in_dim3A_116 {add = true} : memref<10112xf32, #tpu.memory_space<vmem>>[vector<16xi32>], vector<16xf32>,
        %get3A_478 = arith.constant 1 : i32
        %get3A_479 = arith.index_cast %get3A_478 : i32 to index
        %get3A_480 = arith.constant 64 : index
        %get3A_481 = tpu.vector_load %arg17[%get3A_479, %get3A_480] {strides = array<i32>} : memref<2x128xi32, #tpu.memory_space<vmem>>, vector<16xi32>,
        tpu.vector_store_idx %arg10[%get3A_481], %broadcast_in_dim3A_116 {add = true} : memref<10112xf32, #tpu.memory_space<vmem>>[vector<16xi32>], vector<16xf32>,
        %get3A_482 = arith.constant 1 : i32
        %get3A_483 = arith.index_cast %get3A_482 : i32 to index
        %get3A_484 = arith.constant 80 : index
        %get3A_485 = tpu.vector_load %arg17[%get3A_483, %get3A_484] {strides = array<i32>} : memref<2x128xi32, #tpu.memory_space<vmem>>, vector<16xi32>,
        tpu.vector_store_idx %arg10[%get3A_485], %broadcast_in_dim3A_116 {add = true} : memref<10112xf32, #tpu.memory_space<vmem>>[vector<16xi32>], vector<16xf32>,
        %get3A_486 = arith.constant 1 : i32
        %get3A_487 = arith.index_cast %get3A_486 : i32 to index
        %get3A_488 = arith.constant 96 : index
        %get3A_489 = tpu.vector_load %arg17[%get3A_487, %get3A_488] {strides = array<i32>} : memref<2x128xi32, #tpu.memory_space<vmem>>, vector<16xi32>,
        tpu.vector_store_idx %arg10[%get3A_489], %broadcast_in_dim3A_116 {add = true} : memref<10112xf32, #tpu.memory_space<vmem>>[vector<16xi32>], vector<16xf32>,
        %get3A_490 = arith.constant 1 : i32
        %get3A_491 = arith.index_cast %get3A_490 : i32 to index
        %get3A_492 = arith.constant 112 : index
        %get3A_493 = tpu.vector_load %arg17[%get3A_491, %get3A_492] {strides = array<i32>} : memref<2x128xi32, #tpu.memory_space<vmem>>, vector<16xi32>,
        tpu.vector_store_idx %arg10[%get3A_493], %broadcast_in_dim3A_116 {add = true} : memref<10112xf32, #tpu.memory_space<vmem>>[vector<16xi32>], vector<16xf32>,
      } else {
      }
      %ge3A_405 = arith.constant 2 : i32
      %ge3A_406 = arith.cmpi sge, %add3A_386, %ge3A_405 : i32
      %convert_element_type3A_407 = arith.extui %ge3A_406 : i1 to i32
      %cond3A_408 = arith.constant 0 : i32
      %cond3A_409 = arith.cmpi ne, %convert_element_type3A_407, %cond3A_408 : i32
      scf.if %cond3A_409 {
        %dma_wait3A_463 = arith.constant 1 : i32
        %dma_wait3A_464 = arith.constant 0 : i32
        %dma_wait3A_465 = tpu.memref_slice %arg15[%dma_wait3A_463, %dma_wait3A_464] : memref<2x128xi32, #tpu.memory_space<vmem>> -> memref<1x128xi32, #tpu.memory_space<vmem>>
        %dma_wait3A_466 = tpu.memref_squeeze %dma_wait3A_465 : memref<1x128xi32, #tpu.memory_space<vmem>> -> memref<128xi32, #tpu.memory_space<vmem>>
        %dma_wait3A_467 = arith.constant 0 : i32
        %dma_wait3A_468 = arith.constant 0 : i32
        %dma_wait3A_469 = tpu.memref_slice %arg8[%dma_wait3A_467, %dma_wait3A_468] : memref<10112x64xf32, #tpu.memory_space<vmem_shared>> -> memref<10112x64xf32, #tpu.memory_space<vmem_shared>>
        tpu.wait_indirect_dma semaphore(%arg35 : memref<!tpu.dma_semaphore, #tpu.memory_space<semaphore_mem>>) src(%arg19 : memref<128x64xf32, #tpu.memory_space<vmem>>) dst(%dma_wait3A_469 : memref<10112x64xf32, #tpu.memory_space<vmem_shared>>)
      } else {
      }
      %lt3A_410 = arith.constant 158 : i32
      %lt3A_411 = arith.cmpi slt, %add3A_386, %lt3A_410 : i32
      %convert_element_type3A_412 = arith.extui %lt3A_411 : i1 to i32
      %cond3A_413 = arith.constant 0 : i32
      %cond3A_414 = arith.cmpi ne, %convert_element_type3A_412, %cond3A_413 : i32
      scf.if %cond3A_414 {
        %dma_wait3A_463 = arith.constant 0 : i32
        %dma_wait3A_464 = arith.constant 0 : i32
        %dma_wait3A_465 = arith.constant 0 : i32
        %dma_wait3A_466 = tpu.memref_slice %arg3[%arg1, %dma_wait3A_463, %dma_wait3A_464, %dma_wait3A_465] : memref<16x160x2x128xi32, #tpu.memory_space<hbm>> -> memref<1x1x2x128xi32, #tpu.memory_space<hbm>>
        %dma_wait3A_467 = tpu.memref_squeeze %dma_wait3A_466 : memref<1x1x2x128xi32, #tpu.memory_space<hbm>> -> memref<2x128xi32, #tpu.memory_space<hbm>>
        %dma_wait3A_468 = arith.constant 0 : i32
        %dma_wait3A_469 = arith.constant 0 : i32
        %dma_wait3A_470 = tpu.memref_slice %arg3[%arg1, %dma_wait3A_463, %dma_wait3A_468, %dma_wait3A_469] : memref<16x160x2x128xi32, #tpu.memory_space<hbm>> -> memref<1x1x2x128xi32, #tpu.memory_space<hbm>>
        %dma_wait3A_471 = tpu.memref_squeeze %dma_wait3A_470 : memref<1x1x2x128xi32, #tpu.memory_space<hbm>> -> memref<2x128xi32, #tpu.memory_space<hbm>>
        tpu.wait_dma2 semaphore(%arg23 : memref<!tpu.dma_semaphore, #tpu.memory_space<semaphore_mem>>) src(%dma_wait3A_471 : memref<2x128xi32, #tpu.memory_space<hbm>>) dst(%arg11 : memref<2x128xi32, #tpu.memory_space<vmem>>)
        %dma_start3A_472 = arith.constant 0 : i32
        %dma_start3A_473 = arith.constant 0 : i32
        %dma_start3A_474 = tpu.memref_slice %arg11[%dma_start3A_472, %dma_start3A_473] : memref<2x128xi32, #tpu.memory_space<vmem>> -> memref<1x128xi32, #tpu.memory_space<vmem>>
        %dma_start3A_475 = tpu.memref_squeeze %dma_start3A_474 : memref<1x128xi32, #tpu.memory_space<vmem>> -> memref<128xi32, #tpu.memory_space<vmem>>
        %dma_start3A_476 = arith.constant 0 : i32
        %dma_start3A_477 = arith.constant 0 : i32
        %dma_start3A_478 = tpu.memref_slice %arg9[%dma_start3A_476, %dma_start3A_477] : memref<10000x64xf32, #tpu.memory_space<vmem_shared>> -> memref<10000x64xf32, #tpu.memory_space<vmem_shared>>
        tpu.enqueue_indirect_dma source(%dma_start3A_478 : memref<10000x64xf32, #tpu.memory_space<vmem_shared>>) target(%arg19 : memref<128x64xf32, #tpu.memory_space<vmem>>) offsets(%dma_start3A_475 : memref<128xi32, #tpu.memory_space<vmem>>) semaphore(%arg31 : memref<!tpu.dma_semaphore, #tpu.memory_space<semaphore_mem>>)
      } else {
      }
      %ge3A_415 = arith.constant 2 : i32
      %ge3A_416 = arith.cmpi sge, %add3A_386, %ge3A_415 : i32
      %le3A_417 = arith.constant 153 : i32
      %le3A_418 = arith.cmpi sle, %add3A_386, %le3A_417 : i32
      %and3A_419 = arith.andi %ge3A_416, %le3A_418 : i1
      %convert_element_type3A_420 = arith.extui %and3A_419 : i1 to i32
      %cond3A_421 = arith.constant 0 : i32
      %cond3A_422 = arith.cmpi ne, %convert_element_type3A_420, %cond3A_421 : i32
      scf.if %cond3A_422 {
        %add3A_463 = arith.constant 6 : i32
        %add3A_464 = arith.addi %add3A_386, %add3A_463 : i32
        %dma_start3A_465 = arith.constant 0 : i32
        %dma_start3A_466 = arith.constant 0 : i32
        %dma_start3A_467 = tpu.memref_slice %arg3[%arg1, %add3A_464, %dma_start3A_465, %dma_start3A_466] : memref<16x160x2x128xi32, #tpu.memory_space<hbm>> -> memref<1x1x2x128xi32, #tpu.memory_space<hbm>>
        %dma_start3A_468 = tpu.memref_squeeze %dma_start3A_467 : memref<1x1x2x128xi32, #tpu.memory_space<hbm>> -> memref<2x128xi32, #tpu.memory_space<hbm>>
        %dma_start3A_469 = arith.constant 0 : i32
        %dma_start3A_470 = arith.constant 0 : i32
        %dma_start3A_471 = tpu.memref_slice %arg3[%arg1, %add3A_464, %dma_start3A_469, %dma_start3A_470] : memref<16x160x2x128xi32, #tpu.memory_space<hbm>> -> memref<1x1x2x128xi32, #tpu.memory_space<hbm>>
        %dma_start3A_472 = tpu.memref_squeeze %dma_start3A_471 : memref<1x1x2x128xi32, #tpu.memory_space<hbm>> -> memref<2x128xi32, #tpu.memory_space<hbm>>
        tpu.enqueue_dma source(%dma_start3A_472 : memref<2x128xi32, #tpu.memory_space<hbm>>) target(%arg15 : memref<2x128xi32, #tpu.memory_space<vmem>>) target_semaphore(%arg27 : memref<!tpu.dma_semaphore, #tpu.memory_space<semaphore_mem>>)
      } else {
      }
      %mul3A_423 = arith.constant 8 : i32
      %mul3A_424 = arith.muli %scan3A_146, %mul3A_423 : i32
      %add3A_425 = arith.constant 7 : i32
      %add3A_426 = arith.addi %mul3A_424, %add3A_425 : i32
      %dma_wait3A_427 = arith.constant 0 : i32
      %dma_wait3A_428 = arith.constant 0 : i32
      %dma_wait3A_429 = tpu.memref_slice %arg9[%dma_wait3A_427, %dma_wait3A_428] : memref<10000x64xf32, #tpu.memory_space<vmem_shared>> -> memref<128x64xf32, #tpu.memory_space<vmem_shared>>
      %dma_wait3A_430 = arith.constant 0 : i32
      %dma_wait3A_431 = arith.constant 0 : i32
      %dma_wait3A_432 = tpu.memref_slice %arg9[%dma_wait3A_430, %dma_wait3A_431] : memref<10000x64xf32, #tpu.memory_space<vmem_shared>> -> memref<128x64xf32, #tpu.memory_space<vmem_shared>>
      tpu.wait_dma2 semaphore(%arg34 : memref<!tpu.dma_semaphore, #tpu.memory_space<semaphore_mem>>) src(%dma_wait3A_432 : memref<128x64xf32, #tpu.memory_space<vmem_shared>>) dst(%arg22 : memref<128x64xf32, #tpu.memory_space<vmem>>)
      %dma_start3A_433 = arith.constant 1 : i32
      %dma_start3A_434 = arith.constant 0 : i32
      %dma_start3A_435 = tpu.memref_slice %arg18[%dma_start3A_433, %dma_start3A_434] : memref<2x128xi32, #tpu.memory_space<vmem>> -> memref<1x128xi32, #tpu.memory_space<vmem>>
      %dma_start3A_436 = tpu.memref_squeeze %dma_start3A_435 : memref<1x128xi32, #tpu.memory_space<vmem>> -> memref<128xi32, #tpu.memory_space<vmem>>
      %dma_start3A_437 = arith.constant 0 : i32
      %dma_start3A_438 = arith.constant 0 : i32
      %dma_start3A_439 = tpu.memref_slice %arg8[%dma_start3A_437, %dma_start3A_438] : memref<10112x64xf32, #tpu.memory_space<vmem_shared>> -> memref<10112x64xf32, #tpu.memory_space<vmem_shared>>
      tpu.enqueue_indirect_dma source(%arg22 : memref<128x64xf32, #tpu.memory_space<vmem>>) target(%dma_start3A_439 : memref<10112x64xf32, #tpu.memory_space<vmem_shared>>) offsets(%dma_start3A_436 : memref<128xi32, #tpu.memory_space<vmem>>) semaphore(%arg38 : memref<!tpu.dma_semaphore, #tpu.memory_space<semaphore_mem>>) {add = true}
      %eq3A_440 = arith.constant 0 : i32
      %eq3A_441 = arith.cmpi eq, %arg0, %eq3A_440 : i32
      %convert_element_type3A_442 = arith.extui %eq3A_441 : i1 to i32
      %cond3A_443 = arith.constant 0 : i32
      %cond3A_444 = arith.cmpi ne, %convert_element_type3A_442, %cond3A_443 : i32
      scf.if %cond3A_444 {
        %get3A = arith.constant 1 : i32
        %get3A_463 = arith.index_cast %get3A : i32 to index
        %get3A_464 = arith.constant 0 : index
        %get3A_465 = tpu.vector_load %arg18[%get3A_463, %get3A_464] {strides = array<i32>} : memref<2x128xi32, #tpu.memory_space<vmem>>, vector<16xi32>,
        tpu.vector_store_idx %arg10[%get3A_465], %broadcast_in_dim3A_116 {add = true} : memref<10112xf32, #tpu.memory_space<vmem>>[vector<16xi32>], vector<16xf32>,
        %get3A_466 = arith.constant 1 : i32
        %get3A_467 = arith.index_cast %get3A_466 : i32 to index
        %get3A_468 = arith.constant 16 : index
        %get3A_469 = tpu.vector_load %arg18[%get3A_467, %get3A_468] {strides = array<i32>} : memref<2x128xi32, #tpu.memory_space<vmem>>, vector<16xi32>,
        tpu.vector_store_idx %arg10[%get3A_469], %broadcast_in_dim3A_116 {add = true} : memref<10112xf32, #tpu.memory_space<vmem>>[vector<16xi32>], vector<16xf32>,
        %get3A_470 = arith.constant 1 : i32
        %get3A_471 = arith.index_cast %get3A_470 : i32 to index
        %get3A_472 = arith.constant 32 : index
        %get3A_473 = tpu.vector_load %arg18[%get3A_471, %get3A_472] {strides = array<i32>} : memref<2x128xi32, #tpu.memory_space<vmem>>, vector<16xi32>,
        tpu.vector_store_idx %arg10[%get3A_473], %broadcast_in_dim3A_116 {add = true} : memref<10112xf32, #tpu.memory_space<vmem>>[vector<16xi32>], vector<16xf32>,
        %get3A_474 = arith.constant 1 : i32
        %get3A_475 = arith.index_cast %get3A_474 : i32 to index
        %get3A_476 = arith.constant 48 : index
        %get3A_477 = tpu.vector_load %arg18[%get3A_475, %get3A_476] {strides = array<i32>} : memref<2x128xi32, #tpu.memory_space<vmem>>, vector<16xi32>,
        tpu.vector_store_idx %arg10[%get3A_477], %broadcast_in_dim3A_116 {add = true} : memref<10112xf32, #tpu.memory_space<vmem>>[vector<16xi32>], vector<16xf32>,
        %get3A_478 = arith.constant 1 : i32
        %get3A_479 = arith.index_cast %get3A_478 : i32 to index
        %get3A_480 = arith.constant 64 : index
        %get3A_481 = tpu.vector_load %arg18[%get3A_479, %get3A_480] {strides = array<i32>} : memref<2x128xi32, #tpu.memory_space<vmem>>, vector<16xi32>,
        tpu.vector_store_idx %arg10[%get3A_481], %broadcast_in_dim3A_116 {add = true} : memref<10112xf32, #tpu.memory_space<vmem>>[vector<16xi32>], vector<16xf32>,
        %get3A_482 = arith.constant 1 : i32
        %get3A_483 = arith.index_cast %get3A_482 : i32 to index
        %get3A_484 = arith.constant 80 : index
        %get3A_485 = tpu.vector_load %arg18[%get3A_483, %get3A_484] {strides = array<i32>} : memref<2x128xi32, #tpu.memory_space<vmem>>, vector<16xi32>,
        tpu.vector_store_idx %arg10[%get3A_485], %broadcast_in_dim3A_116 {add = true} : memref<10112xf32, #tpu.memory_space<vmem>>[vector<16xi32>], vector<16xf32>,
        %get3A_486 = arith.constant 1 : i32
        %get3A_487 = arith.index_cast %get3A_486 : i32 to index
        %get3A_488 = arith.constant 96 : index
        %get3A_489 = tpu.vector_load %arg18[%get3A_487, %get3A_488] {strides = array<i32>} : memref<2x128xi32, #tpu.memory_space<vmem>>, vector<16xi32>,
        tpu.vector_store_idx %arg10[%get3A_489], %broadcast_in_dim3A_116 {add = true} : memref<10112xf32, #tpu.memory_space<vmem>>[vector<16xi32>], vector<16xf32>,
        %get3A_490 = arith.constant 1 : i32
        %get3A_491 = arith.index_cast %get3A_490 : i32 to index
        %get3A_492 = arith.constant 112 : index
        %get3A_493 = tpu.vector_load %arg18[%get3A_491, %get3A_492] {strides = array<i32>} : memref<2x128xi32, #tpu.memory_space<vmem>>, vector<16xi32>,
        tpu.vector_store_idx %arg10[%get3A_493], %broadcast_in_dim3A_116 {add = true} : memref<10112xf32, #tpu.memory_space<vmem>>[vector<16xi32>], vector<16xf32>,
      } else {
      }
      %ge3A_445 = arith.constant 2 : i32
      %ge3A_446 = arith.cmpi sge, %add3A_426, %ge3A_445 : i32
      %convert_element_type3A_447 = arith.extui %ge3A_446 : i1 to i32
      %cond3A_448 = arith.constant 0 : i32
      %cond3A_449 = arith.cmpi ne, %convert_element_type3A_447, %cond3A_448 : i32
      scf.if %cond3A_449 {
        %dma_wait3A_463 = arith.constant 1 : i32
        %dma_wait3A_464 = arith.constant 0 : i32
        %dma_wait3A_465 = tpu.memref_slice %arg16[%dma_wait3A_463, %dma_wait3A_464] : memref<2x128xi32, #tpu.memory_space<vmem>> -> memref<1x128xi32, #tpu.memory_space<vmem>>
        %dma_wait3A_466 = tpu.memref_squeeze %dma_wait3A_465 : memref<1x128xi32, #tpu.memory_space<vmem>> -> memref<128xi32, #tpu.memory_space<vmem>>
        %dma_wait3A_467 = arith.constant 0 : i32
        %dma_wait3A_468 = arith.constant 0 : i32
        %dma_wait3A_469 = tpu.memref_slice %arg8[%dma_wait3A_467, %dma_wait3A_468] : memref<10112x64xf32, #tpu.memory_space<vmem_shared>> -> memref<10112x64xf32, #tpu.memory_space<vmem_shared>>
        tpu.wait_indirect_dma semaphore(%arg36 : memref<!tpu.dma_semaphore, #tpu.memory_space<semaphore_mem>>) src(%arg20 : memref<128x64xf32, #tpu.memory_space<vmem>>) dst(%dma_wait3A_469 : memref<10112x64xf32, #tpu.memory_space<vmem_shared>>)
      } else {
      }
      %lt3A_450 = arith.constant 158 : i32
      %lt3A_451 = arith.cmpi slt, %add3A_426, %lt3A_450 : i32
      %convert_element_type3A_452 = arith.extui %lt3A_451 : i1 to i32
      %cond3A_453 = arith.constant 0 : i32
      %cond3A_454 = arith.cmpi ne, %convert_element_type3A_452, %cond3A_453 : i32
      scf.if %cond3A_454 {
        %dma_wait3A_463 = arith.constant 0 : i32
        %dma_wait3A_464 = arith.constant 0 : i32
        %dma_wait3A_465 = arith.constant 0 : i32
        %dma_wait3A_466 = tpu.memref_slice %arg3[%arg1, %dma_wait3A_463, %dma_wait3A_464, %dma_wait3A_465] : memref<16x160x2x128xi32, #tpu.memory_space<hbm>> -> memref<1x1x2x128xi32, #tpu.memory_space<hbm>>
        %dma_wait3A_467 = tpu.memref_squeeze %dma_wait3A_466 : memref<1x1x2x128xi32, #tpu.memory_space<hbm>> -> memref<2x128xi32, #tpu.memory_space<hbm>>
        %dma_wait3A_468 = arith.constant 0 : i32
        %dma_wait3A_469 = arith.constant 0 : i32
        %dma_wait3A_470 = tpu.memref_slice %arg3[%arg1, %dma_wait3A_463, %dma_wait3A_468, %dma_wait3A_469] : memref<16x160x2x128xi32, #tpu.memory_space<hbm>> -> memref<1x1x2x128xi32, #tpu.memory_space<hbm>>
        %dma_wait3A_471 = tpu.memref_squeeze %dma_wait3A_470 : memref<1x1x2x128xi32, #tpu.memory_space<hbm>> -> memref<2x128xi32, #tpu.memory_space<hbm>>
        tpu.wait_dma2 semaphore(%arg24 : memref<!tpu.dma_semaphore, #tpu.memory_space<semaphore_mem>>) src(%dma_wait3A_471 : memref<2x128xi32, #tpu.memory_space<hbm>>) dst(%arg12 : memref<2x128xi32, #tpu.memory_space<vmem>>)
        %dma_start3A_472 = arith.constant 0 : i32
        %dma_start3A_473 = arith.constant 0 : i32
        %dma_start3A_474 = tpu.memref_slice %arg12[%dma_start3A_472, %dma_start3A_473] : memref<2x128xi32, #tpu.memory_space<vmem>> -> memref<1x128xi32, #tpu.memory_space<vmem>>
        %dma_start3A_475 = tpu.memref_squeeze %dma_start3A_474 : memref<1x128xi32, #tpu.memory_space<vmem>> -> memref<128xi32, #tpu.memory_space<vmem>>
        %dma_start3A_476 = arith.constant 0 : i32
        %dma_start3A_477 = arith.constant 0 : i32
        %dma_start3A_478 = tpu.memref_slice %arg9[%dma_start3A_476, %dma_start3A_477] : memref<10000x64xf32, #tpu.memory_space<vmem_shared>> -> memref<10000x64xf32, #tpu.memory_space<vmem_shared>>
        tpu.enqueue_indirect_dma source(%dma_start3A_478 : memref<10000x64xf32, #tpu.memory_space<vmem_shared>>) target(%arg20 : memref<128x64xf32, #tpu.memory_space<vmem>>) offsets(%dma_start3A_475 : memref<128xi32, #tpu.memory_space<vmem>>) semaphore(%arg32 : memref<!tpu.dma_semaphore, #tpu.memory_space<semaphore_mem>>)
      } else {
      }
      %ge3A_455 = arith.constant 2 : i32
      %ge3A_456 = arith.cmpi sge, %add3A_426, %ge3A_455 : i32
      %le3A_457 = arith.constant 153 : i32
      %le3A_458 = arith.cmpi sle, %add3A_426, %le3A_457 : i32
      %and3A_459 = arith.andi %ge3A_456, %le3A_458 : i1
      %convert_element_type3A_460 = arith.extui %and3A_459 : i1 to i32
      %cond3A_461 = arith.constant 0 : i32
      %cond3A_462 = arith.cmpi ne, %convert_element_type3A_460, %cond3A_461 : i32
      scf.if %cond3A_462 {
        %add3A_463 = arith.constant 6 : i32
        %add3A_464 = arith.addi %add3A_426, %add3A_463 : i32
        %dma_start3A_465 = arith.constant 0 : i32
        %dma_start3A_466 = arith.constant 0 : i32
        %dma_start3A_467 = tpu.memref_slice %arg3[%arg1, %add3A_464, %dma_start3A_465, %dma_start3A_466] : memref<16x160x2x128xi32, #tpu.memory_space<hbm>> -> memref<1x1x2x128xi32, #tpu.memory_space<hbm>>
        %dma_start3A_468 = tpu.memref_squeeze %dma_start3A_467 : memref<1x1x2x128xi32, #tpu.memory_space<hbm>> -> memref<2x128xi32, #tpu.memory_space<hbm>>
        %dma_start3A_469 = arith.constant 0 : i32
        %dma_start3A_470 = arith.constant 0 : i32
        %dma_start3A_471 = tpu.memref_slice %arg3[%arg1, %add3A_464, %dma_start3A_469, %dma_start3A_470] : memref<16x160x2x128xi32, #tpu.memory_space<hbm>> -> memref<1x1x2x128xi32, #tpu.memory_space<hbm>>
        %dma_start3A_472 = tpu.memref_squeeze %dma_start3A_471 : memref<1x1x2x128xi32, #tpu.memory_space<hbm>> -> memref<2x128xi32, #tpu.memory_space<hbm>>
        tpu.enqueue_dma source(%dma_start3A_472 : memref<2x128xi32, #tpu.memory_space<hbm>>) target(%arg16 : memref<2x128xi32, #tpu.memory_space<vmem>>) target_semaphore(%arg28 : memref<!tpu.dma_semaphore, #tpu.memory_space<semaphore_mem>>)
      } else {
      }
    }
    %scan3A_121 = arith.constant 20 : i32
    %dma_wait3A_122 = arith.constant 1 : i32
    %dma_wait3A_123 = arith.constant 0 : i32
    %dma_wait3A_124 = tpu.memref_slice %arg17[%dma_wait3A_122, %dma_wait3A_123] : memref<2x128xi32, #tpu.memory_space<vmem>> -> memref<1x128xi32, #tpu.memory_space<vmem>>
    %dma_wait3A_125 = tpu.memref_squeeze %dma_wait3A_124 : memref<1x128xi32, #tpu.memory_space<vmem>> -> memref<128xi32, #tpu.memory_space<vmem>>
    %dma_wait3A_126 = arith.constant 0 : i32
    %dma_wait3A_127 = arith.constant 0 : i32
    %dma_wait3A_128 = tpu.memref_slice %arg8[%dma_wait3A_126, %dma_wait3A_127] : memref<10112x64xf32, #tpu.memory_space<vmem_shared>> -> memref<10112x64xf32, #tpu.memory_space<vmem_shared>>
    tpu.wait_indirect_dma semaphore(%arg37 : memref<!tpu.dma_semaphore, #tpu.memory_space<semaphore_mem>>) src(%arg21 : memref<128x64xf32, #tpu.memory_space<vmem>>) dst(%dma_wait3A_128 : memref<10112x64xf32, #tpu.memory_space<vmem_shared>>)
    %dma_wait3A_129 = arith.constant 1 : i32
    %dma_wait3A_130 = arith.constant 0 : i32
    %dma_wait3A_131 = tpu.memref_slice %arg18[%dma_wait3A_129, %dma_wait3A_130] : memref<2x128xi32, #tpu.memory_space<vmem>> -> memref<1x128xi32, #tpu.memory_space<vmem>>
    %dma_wait3A_132 = tpu.memref_squeeze %dma_wait3A_131 : memref<1x128xi32, #tpu.memory_space<vmem>> -> memref<128xi32, #tpu.memory_space<vmem>>
    %dma_wait3A_133 = arith.constant 0 : i32
    %dma_wait3A_134 = arith.constant 0 : i32
    %dma_wait3A_135 = tpu.memref_slice %arg8[%dma_wait3A_133, %dma_wait3A_134] : memref<10112x64xf32, #tpu.memory_space<vmem_shared>> -> memref<10112x64xf32, #tpu.memory_space<vmem_shared>>
    tpu.wait_indirect_dma semaphore(%arg38 : memref<!tpu.dma_semaphore, #tpu.memory_space<semaphore_mem>>) src(%arg22 : memref<128x64xf32, #tpu.memory_space<vmem>>) dst(%dma_wait3A_135 : memref<10112x64xf32, #tpu.memory_space<vmem_shared>>)
    %barrier3A_136 = arith.constant 0 : index
    tpu.barrier barrier_id(%barrier3A_136)
    %mul3A_137 = arith.constant 632 : i32
    %mul3A_138 = arith.muli %arg1, %mul3A_137 : i32
    %mul3A_139 = arith.constant 632 : i32
    %mul3A_140 = arith.muli %arg1, %mul3A_139 : i32
    "tpu.region"() ({
      %run_scoped3A = tpu.sem_alloc : memref<!tpu.dma_semaphore, #tpu.memory_space<semaphore_mem>>
      %dma_start3A_146 = arith.constant 0 : i32
      %dma_start3A_147 = tpu.memref_slice %arg6[%arg0, %mul3A_140, %dma_start3A_146] : memref<2x10112x64xf32, #tpu.memory_space<hbm>> -> memref<1x632x64xf32, #tpu.memory_space<hbm>>
      %dma_start3A_148 = tpu.memref_squeeze %dma_start3A_147 : memref<1x632x64xf32, #tpu.memory_space<hbm>> -> memref<632x64xf32, #tpu.memory_space<hbm>>
      %dma_start3A_149 = arith.constant 0 : i32
      %dma_start3A_150 = tpu.memref_slice %arg8[%mul3A_138, %dma_start3A_149] : memref<10112x64xf32, #tpu.memory_space<vmem_shared>> -> memref<632x64xf32, #tpu.memory_space<vmem_shared>>
      tpu.enqueue_dma source(%dma_start3A_150 : memref<632x64xf32, #tpu.memory_space<vmem_shared>>) target(%dma_start3A_148 : memref<632x64xf32, #tpu.memory_space<hbm>>) target_semaphore(%run_scoped3A : memref<!tpu.dma_semaphore, #tpu.memory_space<semaphore_mem>>)
      %dma_wait3A_151 = arith.constant 0 : i32
      %dma_wait3A_152 = tpu.memref_slice %arg6[%arg0, %mul3A_140, %dma_wait3A_151] : memref<2x10112x64xf32, #tpu.memory_space<hbm>> -> memref<1x632x64xf32, #tpu.memory_space<hbm>>
      %dma_wait3A_153 = tpu.memref_squeeze %dma_wait3A_152 : memref<1x632x64xf32, #tpu.memory_space<hbm>> -> memref<632x64xf32, #tpu.memory_space<hbm>>
      %dma_wait3A_154 = arith.constant 0 : i32
      %dma_wait3A_155 = tpu.memref_slice %arg8[%mul3A_138, %dma_wait3A_154] : memref<10112x64xf32, #tpu.memory_space<vmem_shared>> -> memref<632x64xf32, #tpu.memory_space<vmem_shared>>
      tpu.wait_dma2 semaphore(%run_scoped3A : memref<!tpu.dma_semaphore, #tpu.memory_space<semaphore_mem>>) src(%dma_wait3A_155 : memref<632x64xf32, #tpu.memory_space<vmem_shared>>) dst(%dma_wait3A_153 : memref<632x64xf32, #tpu.memory_space<hbm>>)
      tpu.yield
    }) : () -> ()
    %eq3A_141 = arith.constant 0 : i32
    %eq3A_142 = arith.cmpi eq, %arg0, %eq3A_141 : i32
    %convert_element_type3A_143 = arith.extui %eq3A_142 : i1 to i32
    %cond3A_144 = arith.constant 0 : i32
    %cond3A_145 = arith.cmpi ne, %convert_element_type3A_143, %cond3A_144 : i32
    scf.if %cond3A_145 {
      "tpu.region"() ({
        %run_scoped3A = tpu.sem_alloc : memref<!tpu.dma_semaphore, #tpu.memory_space<semaphore_mem>>
        %dma_start3A_146 = arith.constant 0 : i32
        %dma_start3A_147 = tpu.memref_slice %arg7[%arg1, %dma_start3A_146] : memref<16x10112xf32, #tpu.memory_space<hbm>> -> memref<1x10112xf32, #tpu.memory_space<hbm>>
        %dma_start3A_148 = tpu.memref_squeeze %dma_start3A_147 : memref<1x10112xf32, #tpu.memory_space<hbm>> -> memref<10112xf32, #tpu.memory_space<hbm>>
        %dma_start3A_149 = arith.constant 0 : i32
        %dma_start3A_150 = tpu.memref_slice %arg7[%arg1, %dma_start3A_149] : memref<16x10112xf32, #tpu.memory_space<hbm>> -> memref<1x10112xf32, #tpu.memory_space<hbm>>
        %dma_start3A_151 = tpu.memref_squeeze %dma_start3A_150 : memref<1x10112xf32, #tpu.memory_space<hbm>> -> memref<10112xf32, #tpu.memory_space<hbm>>
        tpu.enqueue_dma source(%arg10 : memref<10112xf32, #tpu.memory_space<vmem>>) target(%dma_start3A_151 : memref<10112xf32, #tpu.memory_space<hbm>>) target_semaphore(%run_scoped3A : memref<!tpu.dma_semaphore, #tpu.memory_space<semaphore_mem>>)
        %dma_wait3A_152 = arith.constant 0 : i32
        %dma_wait3A_153 = tpu.memref_slice %arg7[%arg1, %dma_wait3A_152] : memref<16x10112xf32, #tpu.memory_space<hbm>> -> memref<1x10112xf32, #tpu.memory_space<hbm>>
        %dma_wait3A_154 = tpu.memref_squeeze %dma_wait3A_153 : memref<1x10112xf32, #tpu.memory_space<hbm>> -> memref<10112xf32, #tpu.memory_space<hbm>>
        %dma_wait3A_155 = arith.constant 0 : i32
        %dma_wait3A_156 = tpu.memref_slice %arg7[%arg1, %dma_wait3A_155] : memref<16x10112xf32, #tpu.memory_space<hbm>> -> memref<1x10112xf32, #tpu.memory_space<hbm>>
        %dma_wait3A_157 = tpu.memref_squeeze %dma_wait3A_156 : memref<1x10112xf32, #tpu.memory_space<hbm>> -> memref<10112xf32, #tpu.memory_space<hbm>>
        tpu.wait_dma2 semaphore(%run_scoped3A : memref<!tpu.dma_semaphore, #tpu.memory_space<semaphore_mem>>) src(%arg10 : memref<10112xf32, #tpu.memory_space<vmem>>) dst(%dma_wait3A_157 : memref<10112xf32, #tpu.memory_space<hbm>>)
        tpu.yield
      }) : () -> ()
    } else {
    }
    return
  }
}

module attributes {stable_mosaic.version = 14 : i64} {
  func.func @body(%arg0: i32, %arg1: memref<2x128x64xf32, #tpu.memory_space<vmem>>, %arg2: memref<16x128xf32, #tpu.memory_space<vmem>>, %arg3: memref<128x128xf32, #tpu.memory_space<vmem>>) attributes {dimension_semantics = [#tpu.dimension_semantics<arbitrary>], iteration_bounds = array<i64: 79>, scalar_prefetch = 0 : i64, scratch_operands = 0 : i64, tpu.core_type = #tpu.core_type<tc>, window_params = [{transform_indices = @transform_0, window_bounds = array<i64: 2, 128, 64>}, {transform_indices = @transform_1, window_bounds = array<i64: 16, 128>}, {transform_indices = @transform_2, window_bounds = array<i64: 128, 128>}]} {
    %get3A = arith.constant 0 : index
    %get3A_0 = arith.constant 0 : index
    %get3A_1 = arith.constant 0 : index
    %get3A_2 = vector.load %arg1[%get3A, %get3A_0, %get3A_1] : memref<2x128x64xf32, #tpu.memory_space<vmem>>, vector<2x128x64xf32>
    %get3A_3 = arith.constant 0 : index
    %get3A_4 = arith.constant 0 : index
    %get3A_5 = vector.load %arg2[%get3A_3, %get3A_4] : memref<16x128xf32, #tpu.memory_space<vmem>>, vector<16x128xf32>
    %reduce_sum3A = arith.constant dense<0.000000e+00> : vector<128xf32>
    %reduce_sum3A_6 = vector.multi_reduction <add>, %get3A_5, %reduce_sum3A [0] : vector<16x128xf32> to vector<128xf32>
    %slice3A = vector.extract_strided_slice %get3A_2 {offsets = [0, 0, 0], sizes = [1, 128, 64], strides = [1, 1, 1]} : vector<2x128x64xf32> to vector<1x128x64xf32>
    %squeeze3A = vector.shape_cast %slice3A : vector<1x128x64xf32> to vector<128x64xf32>
    %slice3A_7 = vector.extract_strided_slice %get3A_2 {offsets = [1, 0, 0], sizes = [1, 128, 64], strides = [1, 1, 1]} : vector<2x128x64xf32> to vector<1x128x64xf32>
    %squeeze3A_8 = vector.shape_cast %slice3A_7 : vector<1x128x64xf32> to vector<128x64xf32>
    %concatenate3A = tpu.concatenate %squeeze3A, %squeeze3A_8 in 1 : vector<128x64xf32>, vector<128x64xf32> -> vector<128x128xf32>
    %max3A = arith.constant 1.000000e+00 : f32
    %max3A_9 = vector.broadcast %max3A : f32 to vector<128xf32>
    %max3A_10 = arith.maximumf %reduce_sum3A_6, %max3A_9 : vector<128xf32>
    %broadcast_in_dim3A = vector.shape_cast %max3A_10 : vector<128xf32> to vector<128x1xf32>
    %div3A = vector.broadcast %broadcast_in_dim3A : vector<128x1xf32> to vector<128x128xf32>
    %div3A_11 = arith.divf %concatenate3A, %div3A : vector<128x128xf32>
    %swap3A = arith.constant 0 : index
    %swap3A_12 = arith.constant 0 : index
    %swap3A_13 = vector.load %arg3[%swap3A, %swap3A_12] : memref<128x128xf32, #tpu.memory_space<vmem>>, vector<128x128xf32>
    tpu.vector_store %arg3[%swap3A, %swap3A_12], %div3A_11 {strides = array<i32>} : memref<128x128xf32, #tpu.memory_space<vmem>>, vector<128x128xf32>,
    return
  }
  func.func @transform_0(%arg0: i32) -> (i32, i32, i32) {
    %c0_i32 = arith.constant 0 : i32
    %c0_i32_0 = arith.constant 0 : i32
    %c0_i32_1 = arith.constant 0 : i32
    return %c0_i32, %arg0, %c0_i32_0 : i32, i32, i32
  }
  func.func @transform_1(%arg0: i32) -> (i32, i32) {
    %c0_i32 = arith.constant 0 : i32
    %c0_i32_0 = arith.constant 0 : i32
    return %c0_i32, %arg0 : i32, i32
  }
  func.func @transform_2(%arg0: i32) -> (i32, i32) {
    %c0_i32 = arith.constant 0 : i32
    %c0_i32_0 = arith.constant 0 : i32
    return %arg0, %c0_i32 : i32, i32
  }
}

</mosaic_0001>

<sc_bundles>
// kernel: kernel.4.cloned.1.call-start
scs
__scs_entry_jumppad:
0x0: {  	(pc) =	sbr.rel $0x88, $3  }
0x1: {  	(tag) =	ssettag $0x0;
	lr =	simm.s32 $0x1  }
0x2: {  	[smem:$0x3F9F] =	sst lr;
	_ =	strace $0xD0000000  }
0x3: {  	_ = 	snop  }
0x4: {  	_ = 	snop  }
0x5: {  	_ = 	snop  }
0x6: {  	_ = 	snop  }
0x7: {  	_ = 	snop  }
__scs_overlays_trampoline_lowered:
0x8: {  	[smem:$0x3FAE] =	sst s0  }
0x9: {  	[smem:$0x3FAF] =	sst s1  }
0xa: {  	[smem:$0x3FB0] =	sst s2  }
0xb: {  	[smem:$0x3FB1] =	sst s3  }
0xc: {  	[smem:$0x3FB2] =	sst s4  }
0xd: {  	[smem:$0x3FB3] =	sst s5  }
0xe: {  	[smem:$0x3FB4] =	sst s6  }
0xf: {  	[smem:$0x3FB5] =	sst s7  }
0x10: {  	[smem:$0x3FB6] =	sst s8  }
0x11: {  	[smem:$0x3FB7] =	sst s9;
	s0 =	simm.s32 @!p0 $0x0  }
0x12: {  	s1 =	sld [smem:$0x3F9D];
	s0 =	simm.s32 @p0 $0x1  }
0x13: {  	[smem:$0x3FB8] =	sst s0;
	s0 =	simm.s32 @!p1 $0x0  }
0x14: {  	s2 =	sld [smem:$0x3F9C];
	s0 =	simm.s32 @p1 $0x1  }
0x15: {  	[smem:$0x3FB9] =	sst s0;
	s0 =	simm.s32 @!p2 $0x0  }
0x16: {  	s3 =	sld [smem:$0x3FDB];
	s0 =	simm.s32 @p2 $0x1  }
0x17: {  	s4 =	simm.s32 $0x1BF5;
	[smem:$0x3FBB] =	sst s0  }
0x18: {  	s0 =	sld [smem:$0x3F9E];
	_ =	swait.ge [sflag:s4], $0x0  }
0x19: {  	s7 =	sld [smem:$0x3F9F]  }
0x1a: {  	s8 =	sadd.s32 $0xFFFFE003, lr  }
0x1b: {  	s9 =	sadd.s32 $0xFFFFFEF7, lr;
	s5 =	simm.s32 $0xFFFFFFFF;
	p2 =	slt.u32 s8, $0xFFFFF086  }
0x1c: {  	p1 =	slt.u32 s9, $0xF7A;
	s5 =	simm.s32 @!p2 $0x0  }
0x1d: {  	s5 =	simm.s32 @p1 $0x1;
	p0 =	seq.s32 s7, s2  }
0x1e: {  	s7 =	smul.u32 @!p0 $0xF7A, s2;
	p2 =	seq.s32 @!p0 s5, $0x0  }
0x1f: {  	s9 =	smul.u32 $0xF7A, s1;
	s8 =	simm.s32 @!p0 $0x1BF5;
	p2 =	por !p2, p0  }
0x20: {  	[sflag:s8] =	ssyncset.s32 @!p0 $0xFFFFF086;
	s6 =	sadd.s32 @!p0 s3, s7;
	s7 =	simm.s32 @!p0 $0x108  }
0x21: {  	s3 =	sadd.s32 s3, s9;
	s6 =	sadd.s32 @!p0 $0x88, s6;
	s7 =	simm.s32 @p2 $0x1082  }
0x22: {  	[simem:s7], [sflag:s8] =	dma.local @!p0 [hbm:s6], $0xF7A  }
0x23: {  	s9 =	sor.u32 $0xD0000000, s2;
	s6 =	simm.s32 $0x108;
	_ =	swait.ge @!p0 [sflag:s8], $0x0  }
0x24: {  	s3 =	sadd.s32 $0x88, s3;
	s6 =	simm.s32 @!p1 $0x1082;
	[sflag:s4] =	ssyncset.s32 $0xFFFFF086  }
0x25: {  	[simem:s6], [sflag:s4] =	dma.local [hbm:s3], $0xF7A  }
0x26: {  	[smem:$0x3F9F] =	sst s1;
	(tag) =	ssettag s2;
	_ =	strace s9  }
0x27: {  	s1 =	sld [smem:$0x3FAF]  }
0x28: {  	s2 =	sld [smem:$0x3FB0]  }
0x29: {  	s4 =	sld [smem:$0x3FB2]  }
0x2a: {  	p0 =	seq.s32 s5, $0x0;
	s5 =	sld [smem:$0x3FB3]  }
0x2b: {  	s6 =	sld [smem:$0x3FB4]  }
0x2c: {  	s7 =	sld [smem:$0x3FB5]  }
0x2d: {  	s3 =	simm.s32 $0x108;
	s8 =	sld [smem:$0x3FB6]  }
0x2e: {  	s3 =	simm.s32 @!p0 $0x1082;
	s9 =	sld [smem:$0x3FB7]  }
0x2f: {  	lr =	sadd.s32 s0, s3;
	s0 =	sld [smem:$0x3FAE]  }
0x30: {  	s3 =	sld [smem:$0x3FB1]  }
0x31: {  	[smem:$0x3FBA] =	sst s10  }
0x32: {  	s10 =	sld [smem:$0x3FB8];
	_ =	sdelay $0x3  }
0x33: {  	p0 =	seq.s32 s10, $0x1;
	s10 =	sld [smem:$0x3FBA];
	_ =	sdelay $0x3  }
0x34: {  	[smem:$0x3FBA] =	sst s10  }
0x35: {  	s10 =	sld [smem:$0x3FB9];
	_ =	sdelay $0x3  }
0x36: {  	p1 =	seq.s32 s10, $0x1;
	s10 =	sld [smem:$0x3FBA];
	_ =	sdelay $0x3  }
0x37: {  	[smem:$0x3FBA] =	sst s10  }
0x38: {  	s10 =	sld [smem:$0x3FBB]  }
0x39: {  	_ = 	snop;
	(pc) =	sbr.ind lr, $3  }
0x3a: {  	_ = 	snop  }
0x3b: {  	_ = 	snop  }
0x3c: {  	p2 =	seq.s32 s10, $0x1;
	s10 =	sld [smem:$0x3FBA]  }
0x3d: {  	_ =	shalt  }
0x3e: {  	_ =	shalt  }
0x3f: {  	_ =	shalt  }
0x40: {  	_ =	shalt  }
0x41: {  	_ =	shalt  }
0x42: {  	_ =	shalt  }
0x43: {  	_ =	shalt  }
0x44: {  	_ =	shalt  }
0x45: {  	_ =	shalt  }
0x46: {  	_ =	shalt  }
0x47: {  	_ =	shalt  }
0x48: {  	_ =	shalt  }
0x49: {  	_ =	shalt  }
0x4a: {  	_ =	shalt  }
0x4b: {  	_ =	shalt  }
0x4c: {  	_ =	shalt  }
0x4d: {  	_ =	shalt  }
0x4e: {  	_ =	shalt  }
0x4f: {  	_ =	shalt  }
0x50: {  	_ =	shalt  }
0x51: {  	_ =	shalt  }
0x52: {  	_ =	shalt  }
0x53: {  	_ =	shalt  }
0x54: {  	_ =	shalt  }
0x55: {  	_ =	shalt  }
0x56: {  	_ =	shalt  }
0x57: {  	_ =	shalt  }
0x58: {  	_ =	shalt  }
0x59: {  	_ =	shalt  }
0x5a: {  	_ =	shalt  }
0x5b: {  	_ =	shalt  }
0x5c: {  	_ =	shalt  }
0x5d: {  	_ =	shalt  }
0x5e: {  	_ =	shalt  }
0x5f: {  	_ =	shalt  }
0x60: {  	_ =	shalt  }
0x61: {  	_ =	shalt  }
0x62: {  	_ =	shalt  }
0x63: {  	_ =	shalt  }
0x64: {  	_ =	shalt  }
0x65: {  	_ =	shalt  }
0x66: {  	_ =	shalt  }
0x67: {  	_ =	shalt  }
0x68: {  	_ =	shalt  }
0x69: {  	_ =	shalt  }
0x6a: {  	_ =	shalt  }
0x6b: {  	_ =	shalt  }
0x6c: {  	_ =	shalt  }
0x6d: {  	_ =	shalt  }
0x6e: {  	_ =	shalt  }
0x6f: {  	_ =	shalt  }
0x70: {  	_ =	shalt  }
0x71: {  	_ =	shalt  }
0x72: {  	_ =	shalt  }
0x73: {  	_ =	shalt  }
0x74: {  	_ =	shalt  }
0x75: {  	_ =	shalt  }
0x76: {  	_ =	shalt  }
0x77: {  	_ =	shalt  }
0x78: {  	_ =	shalt  }
0x79: {  	_ =	shalt  }
0x7a: {  	_ =	shalt  }
0x7b: {  	_ =	shalt  }
0x7c: {  	_ =	shalt  }
0x7d: {  	_ =	shalt  }
0x7e: {  	_ =	shalt  }
0x7f: {  	_ =	shalt  }
0x80: {  	_ =	shalt  }
0x81: {  	_ =	shalt  }
0x82: {  	_ =	shalt  }
0x83: {  	_ =	shalt  }
0x84: {  	_ =	shalt  }
0x85: {  	_ =	shalt  }
0x86: {  	_ =	shalt  }
0x87: {  	_ =	shalt  }
.Lfunc_end0:
.L_simem_size_0:
called_computation_lowered:
.L_overlay_start_0:
0x88: {  	s2 =	sld [smem:$0x3FD9]  }
0x89: {  	s3 =	sld [smem:$0x3FFE];
	_ =	sdelay $0x1  }
0x8a: {  	s1 =	srdreg.scid  }
0x8b: {  	s0 =	sand.u32 $0x1, s1  }
0x8c: {  	s17 =	sshll.u32 s0, $0xA;
	s2 =	sadd.s32 s3, s2  }
0x8d: {  	s2 =	sadd.s32 s2, s17  }
0x8e: {  	[smem:$0x3FC6] =	sst s2  }
0x8f: {  	_ = 	snop  }
0x90: {  	s2 =	sld [smem:$0x3FC9]  }
0x91: {  	s18 =	sld [smem:$0x3FD0];
	(tm) =	ssettm $0x1  }
0x92: {  	s4 =	sld [smem:$0x3FFB];
	_ =	sdelay $0x3  }
0x93: {  	_ =	strace s4  }
0x94: {  	s4 =	sld [smem:$0x3FFC];
	_ =	sdelay $0x3  }
0x95: {  	_ =	strace s4  }
0x96: {  	s4 =	sld [smem:$0x3FFD];
	_ =	sdelay $0x3  }
0x97: {  	_ =	strace s4  }
0x98: {  	_ =	strace $0x8FFFFFFF  }
0x99: {  	s19 =	sld [smem:$0x3FDB];
	_ =	sdelay $0x1  }
0x9a: {  	s5 =	simm.s32 $_scs_section_size  }
0x9b: {  	s6 =	simm.s32 $_size__tile_overlayer_lowered;
	s7 =	simm.s32 $_tile_overlayer_lowered  }
0x9c: {  	s22 =	simm.s32 $0x1BFF;
	s21 =	sshll.u32 s7, $0x1;
	s4 =	sadd.s32 s5, s19  }
0x9d: {  	s8 =	simm.s32 $0x0;
	s20 =	sshll.u32 s6, $0x1;
	s6 =	sadd.s32 s21, s4  }
0x9e: {  	[timem:s8], [sflag:s22] =	dma.local [hbm:s6], s20  }
0x9f: {  	_ =	swait.ge [sflag:s22], s20  }
0xa0: {  	s5 =	ssub.s32 $0x0, s20;
	[sflag:s22] =	ssyncset.done $0x0  }
0xa1: {  	[sflag:s22] =	ssyncadd.s32 s5;
	_ =	sdelay $0x1  }
0xa2: {  	s23 =	simm.s32 $0x1B8B  }
0xa3: {  	_ =	swait.ge [sflag:s23], $0x1  }
0xa4: {  	[sflag:s23] =	ssyncset.done $0x0  }
0xa5: {  	s25 =	simm.s32 $0x1B8E;
	s24 =	sld [smem:$0x3FFE];
	[sflag:s23] =	ssyncadd.s32 $0xFFFFFFFF  }
0xa6: {  	s26 =	simm.s32 $execute0_lowered;
	[smem:$0x3FD2] =	sst s25  }
0xa7: {  	s6 =	sshll.u32 s26, $0x1;
	_ =	strace $0x80000046;
	[dreg:$0x1] =	wrdreg $0xFFFFFFFF  }
0xa8: {  	s28 =	simm.s32 $_size_execute0_lowered;
	s4 =	sadd.s32 s4, s6;
	[dreg:$0x0] =	wrdreg $0x0  }
0xa9: {  	s6 =	sshll.u32 s28, $0x1;
	[dreg:$0x2] =	wrdreg s4  }
0xaa: {  	[dreg:$0x3] =	wrdreg s6  }
0xab: {  	[dreg:$0x4] =	wrdreg $0xC0  }
0xac: {  	_ =	task [dreg:s8], $0x5FFFF  }
0xad: {  	[dreg:$0x1] =	wrdreg $0xFFFFFFFF  }
0xae: {  	[dreg:$0x0] =	wrdreg $0x60  }
0xaf: {  	[dreg:$0x2] =	wrdreg s2  }
0xb0: {  	[dreg:$0x3] =	wrdreg s18  }
0xb1: {  	[dreg:$0x4] =	wrdreg s24  }
0xb2: {  	[dreg:$0x5] =	wrdreg $0x9E000  }
0xb3: {  	[dreg:$0x6] =	wrdreg $0x0  }
0xb4: {  	[dreg:$0x7] =	wrdreg $0x9  }
0xb5: {  	_ =	task.clear_ibuf [dreg:s8], $0x8FFFF;
	_ =	strace $0x90000046  }
0xb6: {  	s29 =	simm.s32 $0x9;
	_ =	strace $0x80000048  }
0xb7: {  	_ =	swait.ge [sflag:s29], $0x1  }
0xb8: {  	[sflag:s29] =	ssyncadd.s32 $0xFFFFFFFF  }
0xb9: {  	_ =	strace $0x90000048  }
0xba: {  	_ =	sfence  }
0xbb: {  	s30 =	sld [smem:$0x0];
	_ =	sdelay $0x2  }
0xbc: {  	s31 =	sshll.u32 s1, $0xD;
	s1 =	sshrl.u32 s1, $0x2  }
0xbd: {  	s3 =	sand.u32 $0x4000, s31;
	s1 =	sadd.s32 s1, s30  }
0xbe: {  	s0 =	sor.u32 s3, s0;
	s1 =	sshll.u32 s1, $0x11  }
0xbf: {  	s0 =	sor.u32 s1, s0  }
0xc0: {  	s0 =	sadd.s32 $0x8F2B, s0  }
0xc1: {  	[sflag:s0] =	ssyncadd.remote.s32 $0x1  }
0xc2: {  	_ =	sfence.sel $0xFFFF  }
0xc3: {  	[dreg:$0x0] =	wrdreg $0xFFFFFFFF;
	(pc) =	sbr.abs _section_cstart, $3  }
0xc4: {  	[dreg:$0x1] =	wrdreg $0xFFFFFFFF  }
0xc5: {  	_ =	task.clear_ibuf [dreg:s8], $0x2FFFF;
	_ =	strace $0x9FFFFFFF  }
0xc6: {  	(tm) =	ssettm $0x7FFFFFFF  }
0xc7: {  	_ =	shalt  }
tec
execute0_lowered:
.L_overlay_start_1:
0x0: {  	(tag) =	ssettag $0x1  }
0x1: {  	s0 =	rddreg [dreg:$0x0]  }
0x2: {  	s1 =	rddreg [dreg:$0x1]  }
0x3: {  	s12 =	rddreg [dreg:$0x2]  }
0x4: {  	s3 =	rddreg [dreg:$0x3];
	s14 =	stileid.u32  }
0x5: {  	s2 =	srdreg.scid;
	s5 =	smul.u32 $0x9E00, s14  }
0x6: {  	s4 =	rddreg [dreg:$0x4];
	s8 =	smul.u32 $0xA000, s14  }
0x7: {  	s7 =	simm.s32 $0x0;
	s28 =	simm.s32 $0x168C0;
	s9 =	smul.u32 $0x4F0, s14  }
0x8: {  	s29 =	simm.s32 $0x0;
	s31 =	simm.s32 $0x168C0;
	s20 =	smul.u32 $0x27800, s14  }
0x9: {  	s2 =	sand.u32 $0x1, s2;
	[smem:$0x7FF] =	sst s7;
	s23 =	smul.u32 $0x13C00, s14  }
0xa: {  	s30 =	smul.u32 $0x1400, s14;
	p0 =	seq.s32 s14, $0xF;
	s14 =	simm.s32 $0xA  }
0xb: {  	s6 =	smul.u32 $0x9E000, s2;
	_ =	strace $0x80000047;
	s10 =	ssub.s32 $0x2, s2  }
0xc: {  	s25 =	sshll.u32 s2, $0x6;
	s26 =	sshll.u32 s2, $0x3;
	p1 =	sne.s32 s2, $0x0  }
0xd: {  	s2 =	simm.s32 $0x165C0;
	s16 =	sshrl.u32 s5, $0x3;
	s8 =	sshrl.u32 s8, $0x3  }
0xe: {  	s11 =	sshrl.u32 s10, $0x1;
	s15 =	sadd.s32 s5, s4;
	s13 =	sadd.s32 s1, s8  }
0xf: {  	s8 =	sadd.s32 s9, s12;
	s9 =	ssub.s32 s10, s11;
	[dreg:$0x18] =	wrdreg s15  }
0x10: {  	s11 =	sor.u32 s25, s23;
	s23 =	simm.s32 $0x16640;
	[dreg:$0xe] =	wrdreg s13  }
0x11: {  	s7 =	sadd.s32 s16, s12;
	s25 =	simm.s32 $0x16740;
	[dreg:$0xa] =	wrdreg s23  }
0x12: {  	s16 =	sadd.s32 s30, s1;
	s30 =	simm.s32 $0x16940;
	[dreg:$0xb] =	wrdreg s25  }
0x13: {  	s6 =	sadd.s32 s5, s6;
	s17 =	sadd.s32 $0x20, s13;
	[dreg:$0xd] =	wrdreg s30  }
0x14: {  	s10 =	sshrl.u32 s20, $0x2;
	s18 =	sadd.s32 $0x40, s13;
	[dreg:$0xf] =	wrdreg s17  }
0x15: {  	s15 =	simm.s32 $0xB;
	s19 =	sadd.s32 $0x60, s13;
	[dreg:$0x10] =	wrdreg s18  }
0x16: {  	s6 =	sshrl.u32 s6, $0x3;
	s21 =	sadd.s32 $0x80, s13;
	[dreg:$0x11] =	wrdreg s19  }
0x17: {  	s22 =	sadd.s32 $0xA0, s13;
	s24 =	sadd.s32 $0xC0, s13;
	[dreg:$0x12] =	wrdreg s21  }
0x18: {  	s13 =	sadd.s32 $0xE0, s13;
	s10 =	sadd.s32 s10, s3;
	[dreg:$0x13] =	wrdreg s22  }
0x19: {  	s11 =	sshrl.u32 s11, $0x3;
	s23 =	simm.s32 $0x7;
	[dreg:$0x14] =	wrdreg s24  }
0x1a: {  	s25 =	simm.s32 $0x8;
	[dreg:$0x15] =	wrdreg s13;
	s11 =	sadd.s32 s0, s11  }
0x1b: {  	s6 =	sadd.s32 s6, s12;
	s13 =	simm.s32 $0x16240;
	[dreg:$0x16] =	wrdreg s11  }
0x1c: {  	s0 =	sadd.s32 s26, s0;
	s18 =	sadd.s32 $0x600, s7;
	[dreg:$0x6] =	wrdreg s13  }
0x1d: {  	s17 =	simm.s32 $0x16340;
	s19 =	simm.s32 $0x16440;
	[dreg:$0x19] =	wrdreg s18  }
0x1e: {  	s21 =	simm.s32 $0x16540;
	s22 =	sadd.s32 $0x14200, s8;
	[dreg:$0x7] =	wrdreg s17  }
0x1f: {  	s24 =	smax.u32 s9, $0x1;
	s26 =	simm.s32 $0x16840;
	[dreg:$0x8] =	wrdreg s19  }
0x20: {  	s9 =	simm.s32 $0x166C0;
	s7 =	simm.s32 $0x80;
	[dreg:$0x1b] =	wrdreg s22  }
0x21: {  	s8 =	simm.s32 $0x169C0;
	s12 =	simm.s32 $0x3;
	[dreg:$0x9] =	wrdreg s21  }
0x22: {  	s11 =	sadd.s32 $0x94200, s3;
	s0 =	sadd.s32 $0x25080, s0;
	[dreg:$0x1c] =	wrdreg s24  }
0x23: {  	s20 =	sadd.s32 $0x19200, s6;
	[dreg:$0xc] =	wrdreg s26;
	s6 =	simm.s32 $0x163C0  }
0x24: {  	s26 =	simm.s32 $0x167C0;
	s13 =	simm.s32 $0x1A9C0;
	s17 =	simm.s32 $0x5  }
0x25: {  	s18 =	simm.s32 $0xC;
	s19 =	simm.s32 $0x1C9C0;
	s21 =	simm.s32 $0x6  }
0x26: {  	s22 =	simm.s32 $0xF;
	s24 =	simm.s32 $0x10;
	[dreg:$0x17] =	wrdreg s0  }
0x27: {  	[dreg:$0x1a] =	wrdreg s20;
	s0 =	sshrl.u32 @p0 s11, $0x3;
	s11 =	simm.s32 $0x9  }
0x28: {  	s20 =	simm.s32 $0xE;
	[dreg:$0x1d] =	wrdreg s0;
	s0 =	sshrl.u32 @!p0 s10, $0x3  }
0x29: {  	s10 =	simm.s32 $0x189C0;
	[dreg:$0x1e] =	wrdreg s0;
	s0 =	simm.s32 $0xD  }
.LBB2_1:
0x2a: {  	[dreg:$0x1f] =	wrdreg s29  }
0x2b: {  	s1 =	simm.s32 $0x0;
	s5 =	rddreg [dreg:$0xe];
	s30 =	simm.s32 $0x161C0  }
0x2c: {  	[tilespmem:s30], [sflag:$0x1] =	stream.linear.gather [hbm4b:s5+s1], $0x100, $0x38;
	[tilespmem:$0x1E9C0] =	vst v63  }
0x2d: {  	s5 =	rddreg [dreg:$0xf];
	s30 =	simm.s32 $0x162C0  }
0x2e: {  	[tilespmem:s30], [sflag:$0x2] =	stream.linear.gather [hbm4b:s5+s1], $0x100, $0x38;
	[tilespmem:$0x1E9C0] =	vst v63  }
0x2f: {  	s30 =	rddreg [dreg:$0x10]  }
0x30: {  	[tilespmem:s6], [sflag:$0x3] =	stream.linear.gather [hbm4b:s30+s1], $0x100, $0x38;
	[tilespmem:$0x1E9C0] =	vst v63  }
0x31: {  	s6 =	rddreg [dreg:$0x11];
	s30 =	simm.s32 $0x164C0  }
0x32: {  	[tilespmem:s30], [sflag:$0x4] =	stream.linear.gather [hbm4b:s6+s1], $0x100, $0x38;
	[tilespmem:$0x1E9C0] =	vst v63  }
0x33: {  	s30 =	rddreg [dreg:$0x12]  }
0x34: {  	s6 =	rddreg [dreg:$0x13]  }
0x35: {  	[tilespmem:s2], [sflag:$0x5] =	stream.linear.gather [hbm4b:s30+s1], $0x100, $0x38;
	[tilespmem:$0x1E9C0] =	vst v63  }
0x36: {  	s30 =	rddreg [dreg:$0x14]  }
0x37: {  	[tilespmem:s9], [sflag:$0x6] =	stream.linear.gather [hbm4b:s6+s1], $0x100, $0x38;
	[tilespmem:$0x1E9C0] =	vst v63  }
0x38: {  	s2 =	rddreg [dreg:$0x15]  }
0x39: {  	[tilespmem:s26], [sflag:$0x7] =	stream.linear.gather [hbm4b:s30+s1], $0x100, $0x38;
	[tilespmem:$0x1E9C0] =	vst v63  }
0x3a: {  	s5 =	simm.s32 @p0 $0x8;
	s6 =	simm.s32 @p0 $0x10;
	s26 =	rddreg [dreg:$0x17]  }
0x3b: {  	[tilespmem:s28], [sflag:$0x8] =	stream.linear.gather [hbm4b:s2+s1], $0x100, $0x38;
	[tilespmem:$0x1E9C0] =	vst v63  }
0x3c: {  	s9 =	simm.s32 @p0 $0x1FD1;
	s1 =	simm.s32 @p0 $0x1;
	s28 =	rddreg [dreg:$0x1d]  }
0x3d: {  	[spmem:s28@s5], [sflag:s9] =	dma.strided @p0 [hbm:s26@s6], $0x1040, s1, $0x8   }
0x3e: {  	s1 =	simm.s32 @p0 $0x11  }
0x3f: {  	s26 =	stileid.u32;
	_ =	swait.ge @p0 [sflag:s1], $0x1040  }
0x40: {  	s6 =	simm.s32 @!p0 $0x8;
	s9 =	simm.s32 @!p0 $0x10;
	s28 =	rddreg [dreg:$0x16]  }
0x41: {  	s5 =	sshll.u32 @!p0 s26, $0x6;
	[sflag:s1] =	ssyncset.done @p0 $0x0;
	s30 =	rddreg [dreg:$0x1e]  }
0x42: {  	[sflag:s1] =	ssyncadd.s32 @p0 $0xFFFFEFC0;
	s1 =	sor.u32 @!p0 $0x1C11, s5;
	s5 =	simm.s32 @!p0 $0x1  }
0x43: {  	[spmem:s30@s6], [sflag:s1] =	dma.strided @!p0 [hbm:s28@s9], $0x13C0, s5, $0x8   }
0x44: {  	s1 =	simm.s32 @!p0 $0x11  }
0x45: {  	_ =	swait.ge @!p0 [sflag:s1], $0x13C0  }
0x46: {  	s6 =	sshll.u32 s26, $0x6;
	s9 =	rddreg [dreg:$0x18]  }
0x47: {  	s5 =	sor.u32 $0x1C11, s6;
	s30 =	rddreg [dreg:$0x19]  }
0x48: {  	[sflag:s1] =	ssyncset.done @!p0 $0x0;
	[smem:$0x7FC] =	sst s5;
	s26 =	sshrl.u32 s9, $0x3  }
0x49: {  	s29 =	simm.s32 $0x11;
	[sflag:s1] =	ssyncadd.s32 @!p0 $0xFFFFEC40;
	[smem:$0x7FD] =	sst s26  }
0x4a: {  	[spmem:s26], [sflag:s5] =	dma.local [hbm:s30], $0x13C0  }
0x4b: {  	_ =	swait.ge [sflag:s29], $0x13C0  }
0x4c: {  	[sflag:s29] =	ssyncset.done $0x0  }
0x4d: {  	[sflag:s29] =	ssyncadd.s32 $0xFFFFEC40  }
0x4e: {  	s1 =	simm.s32 @!p1 $0x13A40;
	s5 =	simm.s32 @!p1 $0x0;
	s6 =	rddreg [dreg:$0x2]  }
0x4f: {  	[tilespmem:s1], [sflag:$0x11] =	stream.linear.gather @!p1 [hbm4b:s6+s5], $0x2780, $0x38;
	[tilespmem:$0x1E9C0] =	vst v63  }
0x50: {  	s5 =	simm.s32 @!p1 $0x11  }
0x51: {  	_ =	swait.ge @!p1 [sflag:s5], $0x2780  }
0x52: {  	[sflag:s5] =	ssyncset.done @!p1 $0x0  }
0x53: {  	[sflag:s5] =	ssyncadd.s32 @!p1 $0xFFFFD880  }
0x54: {  	s9 =	simm.s32 $0x1;
	[bflag:$0x0] =	sbarrier.arrive $0xFFFF  }
0x55: {  	_ =	swait.ge [sflag:s9], $0x100  }
0x56: {  	[sflag:s9] =	ssyncset.done $0x0  }
0x57: {  	s26 =	simm.s32 $0x161C0;
	s29 =	simm.s32 $0x2;
	[sflag:s9] =	ssyncadd.s32 $0xFFFFFF00  }
0x58: {  	[tilespmem:s8], [sflag:$0x9] =	stream.indirect.gather [spmem:s3], $0x40, s26, s7, $0xb8;
	[tilespmem:$0x1E9C0] =	vst v63  }
0x59: {  	s2 =	simm.s32 $0x167C0;
	_ =	swait.ge [sflag:s29], $0x100  }
0x5a: {  	s28 =	simm.s32 $0x0;
	s30 =	simm.s32 $0x162C0;
	[sflag:s29] =	ssyncset.done $0x0  }
0x5b: {  	s5 =	simm.s32 $0x7;
	s9 =	simm.s32 $0x0;
	[sflag:s29] =	ssyncadd.s32 $0xFFFFFF00  }
0x5c: {  	[tilespmem:s10], [sflag:$0xA] =	stream.indirect.gather [spmem:s3], $0x40, s30, s7, $0xb8;
	[tilespmem:$0x1E9C0] =	vst v63  }
.LBB2_2:
0x5d: {  	_ =	swait.ge [sflag:s11], $0x2000  }
0x5e: {  	[sflag:s11] =	ssyncset.done $0x0  }
0x5f: {  	s6 =	rddreg [dreg:$0x6];
	[sflag:s11] =	ssyncadd.s32 $0xFFFFE000  }
0x60: {  	[spmem:s4] =	stream.indirect.scatter.add.f32 [tilespmem:s8], [sflag:$0xD], $0x40, s6, s7, $0xb8;
	[tilespmem:$0x1E9C0] =	vst v63  }
0x61: {  	v1 =	vld @!p1 [tilespmem:$0x16240];
	_ =	sdelay $0x6  }
0x62: {  	v0 =	vimm.f32 @!p1 $1.000000000e+00  }
0x63: {  	[tilespmem:v1+s1+$0x0] =	vst.idx.add.f32.msk @!p1 $0xffff, v0  }
0x64: {  	v1 =	vld @!p1 [tilespmem:$0x16250];
	_ =	sdelay $0x7  }
0x65: {  	[tilespmem:v1+s1+$0x0] =	vst.idx.add.f32.msk @!p1 $0xffff, v0  }
0x66: {  	v1 =	vld @!p1 [tilespmem:$0x16260];
	_ =	sdelay $0x7  }
0x67: {  	[tilespmem:v1+s1+$0x0] =	vst.idx.add.f32.msk @!p1 $0xffff, v0  }
0x68: {  	v1 =	vld @!p1 [tilespmem:$0x16270];
	_ =	sdelay $0x7  }
0x69: {  	[tilespmem:v1+s1+$0x0] =	vst.idx.add.f32.msk @!p1 $0xffff, v0  }
0x6a: {  	v1 =	vld @!p1 [tilespmem:$0x16280];
	_ =	sdelay $0x7  }
0x6b: {  	[tilespmem:v1+s1+$0x0] =	vst.idx.add.f32.msk @!p1 $0xffff, v0  }
0x6c: {  	v1 =	vld @!p1 [tilespmem:$0x16290];
	_ =	sdelay $0x7  }
0x6d: {  	[tilespmem:v1+s1+$0x0] =	vst.idx.add.f32.msk @!p1 $0xffff, v0  }
0x6e: {  	v1 =	vld @!p1 [tilespmem:$0x162A0];
	_ =	sdelay $0x7  }
0x6f: {  	[tilespmem:v1+s1+$0x0] =	vst.idx.add.f32.msk @!p1 $0xffff, v0  }
0x70: {  	v1 =	vld @!p1 [tilespmem:$0x162B0];
	_ =	sdelay $0x6  }
0x71: {  	p2 =	seq.s32 s28, $0x0  }
0x72: {  	s6 =	simm.s32 @!p2 $0xF;
	[tilespmem:v1+s1+$0x0] =	vst.idx.add.f32.msk @!p1 $0xffff, v0  }
0x73: {  	_ =	swait.ge @!p2 [sflag:s6], $0x2000  }
0x74: {  	[sflag:s6] =	ssyncset.done @!p2 $0x0  }
0x75: {  	[sflag:s6] =	ssyncadd.s32 @!p2 $0xFFFFE000  }
0x76: {  	s29 =	sadd.s32 $0xFFFFFFF1, s5;
	_ =	swait.ge [sflag:s12], $0x100  }
0x77: {  	p3 =	sgt.u32 s29, $0x97;
	[sflag:s12] =	ssyncset.done $0x0  }
0x78: {  	s26 =	simm.s32 $0x163C0;
	s6 =	sadd.s32 @!p3 s28, s16;
	[sflag:s12] =	ssyncadd.s32 $0xFFFFFF00  }
0x79: {  	[tilespmem:s13], [sflag:$0xB] =	stream.indirect.gather [spmem:s3], $0x40, s26, s7, $0xb8;
	[tilespmem:$0x1E9C0] =	vst v63  }
0x7a: {  	s29 =	simm.s32 @!p3 $0x167C0;
	s6 =	sadd.s32 @!p3 $0xC0, s6;
	s26 =	simm.s32 @!p3 $0x0  }
0x7b: {  	[tilespmem:s29], [sflag:$0x7] =	stream.linear.gather @!p3 [hbm4b:s6+s26], $0x100, $0x38;
	[tilespmem:$0x1E9C0] =	vst v63  }
0x7c: {  	_ =	swait.ge [sflag:s14], $0x2000  }
0x7d: {  	[sflag:s14] =	ssyncset.done $0x0  }
0x7e: {  	s30 =	rddreg [dreg:$0x7];
	[sflag:s14] =	ssyncadd.s32 $0xFFFFE000  }
0x7f: {  	[spmem:s4] =	stream.indirect.scatter.add.f32 [tilespmem:s10], [sflag:$0xE], $0x40, s30, s7, $0xb8;
	[tilespmem:$0x1E9C0] =	vst v63  }
0x80: {  	v1 =	vld @!p1 [tilespmem:$0x16340];
	_ =	sdelay $0x7  }
0x81: {  	[tilespmem:v1+s1+$0x0] =	vst.idx.add.f32.msk @!p1 $0xffff, v0  }
0x82: {  	v1 =	vld @!p1 [tilespmem:$0x16350];
	_ =	sdelay $0x7  }
0x83: {  	[tilespmem:v1+s1+$0x0] =	vst.idx.add.f32.msk @!p1 $0xffff, v0  }
0x84: {  	v1 =	vld @!p1 [tilespmem:$0x16360];
	_ =	sdelay $0x7  }
0x85: {  	[tilespmem:v1+s1+$0x0] =	vst.idx.add.f32.msk @!p1 $0xffff, v0  }
0x86: {  	v1 =	vld @!p1 [tilespmem:$0x16370];
	_ =	sdelay $0x7  }
0x87: {  	[tilespmem:v1+s1+$0x0] =	vst.idx.add.f32.msk @!p1 $0xffff, v0  }
0x88: {  	v1 =	vld @!p1 [tilespmem:$0x16380];
	_ =	sdelay $0x7  }
0x89: {  	[tilespmem:v1+s1+$0x0] =	vst.idx.add.f32.msk @!p1 $0xffff, v0  }
0x8a: {  	v1 =	vld @!p1 [tilespmem:$0x16390];
	_ =	sdelay $0x7  }
0x8b: {  	[tilespmem:v1+s1+$0x0] =	vst.idx.add.f32.msk @!p1 $0xffff, v0  }
0x8c: {  	v1 =	vld @!p1 [tilespmem:$0x163A0];
	_ =	sdelay $0x7  }
0x8d: {  	[tilespmem:v1+s1+$0x0] =	vst.idx.add.f32.msk @!p1 $0xffff, v0  }
0x8e: {  	v1 =	vld @!p1 [tilespmem:$0x163B0];
	_ =	sdelay $0x7  }
0x8f: {  	s6 =	simm.s32 @p2 $0x4;
	[tilespmem:v1+s1+$0x0] =	vst.idx.add.f32.msk @!p1 $0xffff, v0  }
0x90: {  	_ =	swait.ge @p2 [sflag:s6], $0x100  }
0x91: {  	s26 =	simm.s32 @p2 $0x164C0;
	[sflag:s6] =	ssyncset.done @p2 $0x0  }
0x92: {  	s29 =	simm.s32 @p2 $0x1C9C0;
	[sflag:s6] =	ssyncadd.s32 @p2 $0xFFFFFF00;
	s6 =	simm.s32 @p2 $0x80  }
0x93: {  	[tilespmem:s29], [sflag:$0xC] =	stream.indirect.gather @p2 [spmem:s3], $0x40, s26, s6, $0xb8;
	[tilespmem:$0x1E9C0] =	vst v63  }
0x94: {  	s6 =	simm.s32 @!p2 $0x10  }
0x95: {  	_ =	swait.ge @!p2 [sflag:s6], $0x2000  }
0x96: {  	[sflag:s6] =	ssyncset.done @!p2 $0x0  }
0x97: {  	[sflag:s6] =	ssyncadd.s32 @!p2 $0xFFFFE000;
	s6 =	simm.s32 @!p2 $0x4  }
0x98: {  	_ =	swait.ge @!p2 [sflag:s6], $0x100  }
0x99: {  	s26 =	simm.s32 @!p2 $0x164C0;
	[sflag:s6] =	ssyncset.done @!p2 $0x0  }
0x9a: {  	s29 =	simm.s32 @!p2 $0x1C9C0;
	[sflag:s6] =	ssyncadd.s32 @!p2 $0xFFFFFF00;
	s6 =	simm.s32 @!p2 $0x80  }
0x9b: {  	[tilespmem:s29], [sflag:$0xC] =	stream.indirect.gather @!p2 [spmem:s3], $0x40, s26, s6, $0xb8;
	[tilespmem:$0x1E9C0] =	vst v63  }
0x9c: {  	s6 =	sadd.s32 @!p2 s28, s16  }
0x9d: {  	s26 =	simm.s32 @!p2 $0x0;
	s29 =	simm.s32 @!p2 $0x168C0;
	s6 =	sadd.s32 @!p2 $0xE0, s6  }
0x9e: {  	[tilespmem:s29], [sflag:$0x8] =	stream.linear.gather @!p2 [hbm4b:s6+s26], $0x100, $0x38;
	[tilespmem:$0x1E9C0] =	vst v63  }
0x9f: {  	_ =	swait.ge [sflag:s15], $0x2000  }
0xa0: {  	[sflag:s15] =	ssyncset.done $0x0  }
0xa1: {  	s26 =	rddreg [dreg:$0x8];
	[sflag:s15] =	ssyncadd.s32 $0xFFFFE000  }
0xa2: {  	[spmem:s4] =	stream.indirect.scatter.add.f32 [tilespmem:s13], [sflag:$0xF], $0x40, s26, s7, $0xb8;
	[tilespmem:$0x1E9C0] =	vst v63  }
0xa3: {  	v1 =	vld @!p1 [tilespmem:$0x16440];
	_ =	sdelay $0x7  }
0xa4: {  	[tilespmem:v1+s1+$0x0] =	vst.idx.add.f32.msk @!p1 $0xffff, v0  }
0xa5: {  	v1 =	vld @!p1 [tilespmem:$0x16450];
	_ =	sdelay $0x7  }
0xa6: {  	[tilespmem:v1+s1+$0x0] =	vst.idx.add.f32.msk @!p1 $0xffff, v0  }
0xa7: {  	v1 =	vld @!p1 [tilespmem:$0x16460];
	_ =	sdelay $0x7  }
0xa8: {  	[tilespmem:v1+s1+$0x0] =	vst.idx.add.f32.msk @!p1 $0xffff, v0  }
0xa9: {  	v1 =	vld @!p1 [tilespmem:$0x16470];
	_ =	sdelay $0x7  }
0xaa: {  	[tilespmem:v1+s1+$0x0] =	vst.idx.add.f32.msk @!p1 $0xffff, v0  }
0xab: {  	v1 =	vld @!p1 [tilespmem:$0x16480];
	_ =	sdelay $0x7  }
0xac: {  	[tilespmem:v1+s1+$0x0] =	vst.idx.add.f32.msk @!p1 $0xffff, v0  }
0xad: {  	v1 =	vld @!p1 [tilespmem:$0x16490];
	_ =	sdelay $0x7  }
0xae: {  	[tilespmem:v1+s1+$0x0] =	vst.idx.add.f32.msk @!p1 $0xffff, v0  }
0xaf: {  	v1 =	vld @!p1 [tilespmem:$0x164A0];
	_ =	sdelay $0x7  }
0xb0: {  	[tilespmem:v1+s1+$0x0] =	vst.idx.add.f32.msk @!p1 $0xffff, v0  }
0xb1: {  	v1 =	vld @!p1 [tilespmem:$0x164B0];
	_ =	sdelay $0x7  }
0xb2: {  	[tilespmem:v1+s1+$0x0] =	vst.idx.add.f32.msk @!p1 $0xffff, v0  }
0xb3: {  	_ =	swait.ge [sflag:s0], $0x2000  }
0xb4: {  	[sflag:s0] =	ssyncset.done $0x0  }
0xb5: {  	[sflag:s0] =	ssyncadd.s32 $0xFFFFE000  }
0xb6: {  	_ =	swait.ge [sflag:s17], $0x100  }
0xb7: {  	p2 =	sgt.u32 s9, $0x12;
	[sflag:s17] =	ssyncset.done $0x0  }
0xb8: {  	s29 =	simm.s32 $0x165C0;
	s6 =	sadd.s32 @!p2 s28, s16;
	[sflag:s17] =	ssyncadd.s32 $0xFFFFFF00  }
0xb9: {  	[tilespmem:s8], [sflag:$0x9] =	stream.indirect.gather [spmem:s3], $0x40, s29, s7, $0xb8;
	[tilespmem:$0x1E9C0] =	vst v63  }
0xba: {  	s30 =	simm.s32 @!p2 $0x161C0;
	s26 =	simm.s32 @!p2 $0x0;
	s29 =	sadd.s32 @!p2 $0x100, s6  }
0xbb: {  	[tilespmem:s30], [sflag:$0x1] =	stream.linear.gather @!p2 [hbm4b:s29+s26], $0x100, $0x38;
	[tilespmem:$0x1E9C0] =	vst v63  }
0xbc: {  	_ =	swait.ge [sflag:s18], $0x2000  }
0xbd: {  	[sflag:s18] =	ssyncset.done $0x0  }
0xbe: {  	s30 =	rddreg [dreg:$0x9];
	[sflag:s18] =	ssyncadd.s32 $0xFFFFE000  }
0xbf: {  	[spmem:s4] =	stream.indirect.scatter.add.f32 [tilespmem:s19], [sflag:$0x10], $0x40, s30, s7, $0xb8;
	[tilespmem:$0x1E9C0] =	vst v63  }
0xc0: {  	v1 =	vld @!p1 [tilespmem:$0x16540];
	_ =	sdelay $0x7  }
0xc1: {  	[tilespmem:v1+s1+$0x0] =	vst.idx.add.f32.msk @!p1 $0xffff, v0  }
0xc2: {  	v1 =	vld @!p1 [tilespmem:$0x16550];
	_ =	sdelay $0x7  }
0xc3: {  	[tilespmem:v1+s1+$0x0] =	vst.idx.add.f32.msk @!p1 $0xffff, v0  }
0xc4: {  	v1 =	vld @!p1 [tilespmem:$0x16560];
	_ =	sdelay $0x7  }
0xc5: {  	[tilespmem:v1+s1+$0x0] =	vst.idx.add.f32.msk @!p1 $0xffff, v0  }
0xc6: {  	v1 =	vld @!p1 [tilespmem:$0x16570];
	_ =	sdelay $0x7  }
0xc7: {  	[tilespmem:v1+s1+$0x0] =	vst.idx.add.f32.msk @!p1 $0xffff, v0  }
0xc8: {  	v1 =	vld @!p1 [tilespmem:$0x16580];
	_ =	sdelay $0x7  }
0xc9: {  	[tilespmem:v1+s1+$0x0] =	vst.idx.add.f32.msk @!p1 $0xffff, v0  }
0xca: {  	v1 =	vld @!p1 [tilespmem:$0x16590];
	_ =	sdelay $0x7  }
0xcb: {  	[tilespmem:v1+s1+$0x0] =	vst.idx.add.f32.msk @!p1 $0xffff, v0  }
0xcc: {  	v1 =	vld @!p1 [tilespmem:$0x165A0];
	_ =	sdelay $0x7  }
0xcd: {  	[tilespmem:v1+s1+$0x0] =	vst.idx.add.f32.msk @!p1 $0xffff, v0  }
0xce: {  	v1 =	vld @!p1 [tilespmem:$0x165B0];
	_ =	sdelay $0x7  }
0xcf: {  	[tilespmem:v1+s1+$0x0] =	vst.idx.add.f32.msk @!p1 $0xffff, v0  }
0xd0: {  	_ =	swait.ge [sflag:s20], $0x2000  }
0xd1: {  	[sflag:s20] =	ssyncset.done $0x0  }
0xd2: {  	[sflag:s20] =	ssyncadd.s32 $0xFFFFE000  }
0xd3: {  	_ =	swait.ge [sflag:s21], $0x100  }
0xd4: {  	[sflag:s21] =	ssyncset.done $0x0  }
0xd5: {  	s30 =	simm.s32 $0x166C0;
	[sflag:s21] =	ssyncadd.s32 $0xFFFFFF00  }
0xd6: {  	[tilespmem:s10], [sflag:$0xA] =	stream.indirect.gather [spmem:s3], $0x40, s30, s7, $0xb8;
	[tilespmem:$0x1E9C0] =	vst v63  }
0xd7: {  	s29 =	sadd.s32 @!p2 $0x120, s6;
	s30 =	simm.s32 @!p2 $0x162C0  }
0xd8: {  	[tilespmem:s30], [sflag:$0x2] =	stream.linear.gather @!p2 [hbm4b:s29+s26], $0x100, $0x38;
	[tilespmem:$0x1E9C0] =	vst v63  }
0xd9: {  	_ =	swait.ge [sflag:s11], $0x2000  }
0xda: {  	[sflag:s11] =	ssyncset.done $0x0  }
0xdb: {  	s30 =	rddreg [dreg:$0xa];
	[sflag:s11] =	ssyncadd.s32 $0xFFFFE000  }
0xdc: {  	[spmem:s4] =	stream.indirect.scatter.add.f32 [tilespmem:s8], [sflag:$0xD], $0x40, s30, s7, $0xb8;
	[tilespmem:$0x1E9C0] =	vst v63  }
0xdd: {  	v1 =	vld @!p1 [tilespmem:$0x16640];
	_ =	sdelay $0x7  }
0xde: {  	[tilespmem:v1+s1+$0x0] =	vst.idx.add.f32.msk @!p1 $0xffff, v0  }
0xdf: {  	v1 =	vld @!p1 [tilespmem:$0x16650];
	_ =	sdelay $0x7  }
0xe0: {  	[tilespmem:v1+s1+$0x0] =	vst.idx.add.f32.msk @!p1 $0xffff, v0  }
0xe1: {  	v1 =	vld @!p1 [tilespmem:$0x16660];
	_ =	sdelay $0x7  }
0xe2: {  	[tilespmem:v1+s1+$0x0] =	vst.idx.add.f32.msk @!p1 $0xffff, v0  }
0xe3: {  	v1 =	vld @!p1 [tilespmem:$0x16670];
	_ =	sdelay $0x7  }
0xe4: {  	[tilespmem:v1+s1+$0x0] =	vst.idx.add.f32.msk @!p1 $0xffff, v0  }
0xe5: {  	v1 =	vld @!p1 [tilespmem:$0x16680];
	_ =	sdelay $0x7  }
0xe6: {  	[tilespmem:v1+s1+$0x0] =	vst.idx.add.f32.msk @!p1 $0xffff, v0  }
0xe7: {  	v1 =	vld @!p1 [tilespmem:$0x16690];
	_ =	sdelay $0x7  }
0xe8: {  	[tilespmem:v1+s1+$0x0] =	vst.idx.add.f32.msk @!p1 $0xffff, v0  }
0xe9: {  	v1 =	vld @!p1 [tilespmem:$0x166A0];
	_ =	sdelay $0x7  }
0xea: {  	[tilespmem:v1+s1+$0x0] =	vst.idx.add.f32.msk @!p1 $0xffff, v0  }
0xeb: {  	v1 =	vld @!p1 [tilespmem:$0x166B0];
	_ =	sdelay $0x7  }
0xec: {  	[tilespmem:v1+s1+$0x0] =	vst.idx.add.f32.msk @!p1 $0xffff, v0  }
0xed: {  	_ =	swait.ge [sflag:s22], $0x2000  }
0xee: {  	[sflag:s22] =	ssyncset.done $0x0  }
0xef: {  	[sflag:s22] =	ssyncadd.s32 $0xFFFFE000  }
0xf0: {  	_ =	swait.ge [sflag:s23], $0x100  }
0xf1: {  	[sflag:s23] =	ssyncset.done $0x0  }
0xf2: {  	[sflag:s23] =	ssyncadd.s32 $0xFFFFFF00  }
0xf3: {  	[tilespmem:s13], [sflag:$0xB] =	stream.indirect.gather [spmem:s3], $0x40, s2, s7, $0xb8;
	[tilespmem:$0x1E9C0] =	vst v63  }
0xf4: {  	s29 =	sadd.s32 @!p2 $0x140, s6;
	s30 =	simm.s32 @!p2 $0x163C0  }
0xf5: {  	[tilespmem:s30], [sflag:$0x3] =	stream.linear.gather @!p2 [hbm4b:s29+s26], $0x100, $0x38;
	[tilespmem:$0x1E9C0] =	vst v63  }
0xf6: {  	_ =	swait.ge [sflag:s14], $0x2000  }
0xf7: {  	[sflag:s14] =	ssyncset.done $0x0  }
0xf8: {  	s30 =	rddreg [dreg:$0xb];
	[sflag:s14] =	ssyncadd.s32 $0xFFFFE000  }
0xf9: {  	[spmem:s4] =	stream.indirect.scatter.add.f32 [tilespmem:s10], [sflag:$0xE], $0x40, s30, s7, $0xb8;
	[tilespmem:$0x1E9C0] =	vst v63  }
0xfa: {  	v1 =	vld @!p1 [tilespmem:$0x16740];
	_ =	sdelay $0x7  }
0xfb: {  	[tilespmem:v1+s1+$0x0] =	vst.idx.add.f32.msk @!p1 $0xffff, v0  }
0xfc: {  	v1 =	vld @!p1 [tilespmem:$0x16750];
	_ =	sdelay $0x7  }
0xfd: {  	[tilespmem:v1+s1+$0x0] =	vst.idx.add.f32.msk @!p1 $0xffff, v0  }
0xfe: {  	v1 =	vld @!p1 [tilespmem:$0x16760];
	_ =	sdelay $0x7  }
0xff: {  	[tilespmem:v1+s1+$0x0] =	vst.idx.add.f32.msk @!p1 $0xffff, v0  }
0x100: {  	v1 =	vld @!p1 [tilespmem:$0x16770];
	_ =	sdelay $0x7  }
0x101: {  	[tilespmem:v1+s1+$0x0] =	vst.idx.add.f32.msk @!p1 $0xffff, v0  }
0x102: {  	v1 =	vld @!p1 [tilespmem:$0x16780];
	_ =	sdelay $0x7  }
0x103: {  	[tilespmem:v1+s1+$0x0] =	vst.idx.add.f32.msk @!p1 $0xffff, v0  }
0x104: {  	v1 =	vld @!p1 [tilespmem:$0x16790];
	_ =	sdelay $0x7  }
0x105: {  	[tilespmem:v1+s1+$0x0] =	vst.idx.add.f32.msk @!p1 $0xffff, v0  }
0x106: {  	v1 =	vld @!p1 [tilespmem:$0x167A0];
	_ =	sdelay $0x7  }
0x107: {  	[tilespmem:v1+s1+$0x0] =	vst.idx.add.f32.msk @!p1 $0xffff, v0  }
0x108: {  	v1 =	vld @!p1 [tilespmem:$0x167B0];
	_ =	sdelay $0x7  }
0x109: {  	[tilespmem:v1+s1+$0x0] =	vst.idx.add.f32.msk @!p1 $0xffff, v0  }
0x10a: {  	_ =	swait.ge [sflag:s24], $0x2000  }
0x10b: {  	[sflag:s24] =	ssyncset.done $0x0  }
0x10c: {  	[sflag:s24] =	ssyncadd.s32 $0xFFFFE000  }
0x10d: {  	_ =	swait.ge [sflag:s25], $0x100  }
0x10e: {  	[sflag:s25] =	ssyncset.done $0x0  }
0x10f: {  	[sflag:s25] =	ssyncadd.s32 $0xFFFFFF00  }
0x110: {  	[tilespmem:s19], [sflag:$0xC] =	stream.indirect.gather [spmem:s3], $0x40, s31, s7, $0xb8;
	[tilespmem:$0x1E9C0] =	vst v63  }
0x111: {  	s6 =	sadd.s32 @!p2 $0x160, s6;
	s29 =	simm.s32 @!p2 $0x164C0  }
0x112: {  	[tilespmem:s29], [sflag:$0x4] =	stream.linear.gather @!p2 [hbm4b:s6+s26], $0x100, $0x38;
	[tilespmem:$0x1E9C0] =	vst v63  }
0x113: {  	_ =	swait.ge [sflag:s15], $0x2000  }
0x114: {  	[sflag:s15] =	ssyncset.done $0x0  }
0x115: {  	s29 =	rddreg [dreg:$0xc];
	[sflag:s15] =	ssyncadd.s32 $0xFFFFE000  }
0x116: {  	[spmem:s4] =	stream.indirect.scatter.add.f32 [tilespmem:s13], [sflag:$0xF], $0x40, s29, s7, $0xb8;
	[tilespmem:$0x1E9C0] =	vst v63  }
0x117: {  	v1 =	vld @!p1 [tilespmem:$0x16840];
	_ =	sdelay $0x7  }
0x118: {  	[tilespmem:v1+s1+$0x0] =	vst.idx.add.f32.msk @!p1 $0xffff, v0  }
0x119: {  	v1 =	vld @!p1 [tilespmem:$0x16850];
	_ =	sdelay $0x7  }
0x11a: {  	[tilespmem:v1+s1+$0x0] =	vst.idx.add.f32.msk @!p1 $0xffff, v0  }
0x11b: {  	v1 =	vld @!p1 [tilespmem:$0x16860];
	_ =	sdelay $0x7  }
0x11c: {  	[tilespmem:v1+s1+$0x0] =	vst.idx.add.f32.msk @!p1 $0xffff, v0  }
0x11d: {  	v1 =	vld @!p1 [tilespmem:$0x16870];
	_ =	sdelay $0x7  }
0x11e: {  	[tilespmem:v1+s1+$0x0] =	vst.idx.add.f32.msk @!p1 $0xffff, v0  }
0x11f: {  	v1 =	vld @!p1 [tilespmem:$0x16880];
	_ =	sdelay $0x7  }
0x120: {  	[tilespmem:v1+s1+$0x0] =	vst.idx.add.f32.msk @!p1 $0xffff, v0  }
0x121: {  	v1 =	vld @!p1 [tilespmem:$0x16890];
	_ =	sdelay $0x7  }
0x122: {  	[tilespmem:v1+s1+$0x0] =	vst.idx.add.f32.msk @!p1 $0xffff, v0  }
0x123: {  	v1 =	vld @!p1 [tilespmem:$0x168A0];
	_ =	sdelay $0x7  }
0x124: {  	[tilespmem:v1+s1+$0x0] =	vst.idx.add.f32.msk @!p1 $0xffff, v0  }
0x125: {  	v1 =	vld @!p1 [tilespmem:$0x168B0];
	_ =	sdelay $0x7  }
0x126: {  	[tilespmem:v1+s1+$0x0] =	vst.idx.add.f32.msk @!p1 $0xffff, v0  }
0x127: {  	s6 =	sadd.s32 $0xFFFFFFFF, s5;
	_ =	swait.ge [sflag:s0], $0x2000  }
0x128: {  	p2 =	sgt.u32 s6, $0x9D;
	[sflag:s0] =	ssyncset.done $0x0  }
0x129: {  	s26 =	simm.s32 @!p2 $0x1;
	[sflag:s0] =	ssyncadd.s32 $0xFFFFE000  }
0x12a: {  	_ =	swait.ge @!p2 [sflag:s26], $0x100  }
0x12b: {  	s30 =	simm.s32 @!p2 $0x169C0;
	p3 =	sgt.u32 @!p2 s6, $0x99;
	[sflag:s26] =	ssyncset.done @!p2 $0x0  }
0x12c: {  	s29 =	simm.s32 @!p2 $0x161C0;
	[sflag:s26] =	ssyncadd.s32 @!p2 $0xFFFFFF00;
	s26 =	simm.s32 @!p2 $0x80  }
0x12d: {  	[tilespmem:s30], [sflag:$0x9] =	stream.indirect.gather @!p2 [spmem:s3], $0x40, s29, s26, $0xb8;
	[tilespmem:$0x1E9C0] =	vst v63  }
0x12e: {  	p2 =	por p3, p2  }
0x12f: {  	s6 =	sadd.s32 @!p2 s28, s16  }
0x130: {  	s26 =	simm.s32 @!p2 $0x0;
	s29 =	simm.s32 @!p2 $0x165C0;
	s6 =	sadd.s32 @!p2 $0x180, s6  }
0x131: {  	[tilespmem:s29], [sflag:$0x5] =	stream.linear.gather @!p2 [hbm4b:s6+s26], $0x100, $0x38;
	[tilespmem:$0x1E9C0] =	vst v63  }
0x132: {  	_ =	swait.ge [sflag:s18], $0x2000  }
0x133: {  	[sflag:s18] =	ssyncset.done $0x0  }
0x134: {  	s30 =	rddreg [dreg:$0xd];
	[sflag:s18] =	ssyncadd.s32 $0xFFFFE000  }
0x135: {  	[spmem:s4] =	stream.indirect.scatter.add.f32 [tilespmem:s19], [sflag:$0x10], $0x40, s30, s7, $0xb8;
	[tilespmem:$0x1E9C0] =	vst v63  }
0x136: {  	v1 =	vld @!p1 [tilespmem:$0x16940];
	_ =	sdelay $0x7  }
0x137: {  	[tilespmem:v1+s1+$0x0] =	vst.idx.add.f32.msk @!p1 $0xffff, v0  }
0x138: {  	v1 =	vld @!p1 [tilespmem:$0x16950];
	_ =	sdelay $0x7  }
0x139: {  	[tilespmem:v1+s1+$0x0] =	vst.idx.add.f32.msk @!p1 $0xffff, v0  }
0x13a: {  	v1 =	vld @!p1 [tilespmem:$0x16960];
	_ =	sdelay $0x7  }
0x13b: {  	[tilespmem:v1+s1+$0x0] =	vst.idx.add.f32.msk @!p1 $0xffff, v0  }
0x13c: {  	v1 =	vld @!p1 [tilespmem:$0x16970];
	_ =	sdelay $0x7  }
0x13d: {  	[tilespmem:v1+s1+$0x0] =	vst.idx.add.f32.msk @!p1 $0xffff, v0  }
0x13e: {  	v1 =	vld @!p1 [tilespmem:$0x16980];
	_ =	sdelay $0x7  }
0x13f: {  	[tilespmem:v1+s1+$0x0] =	vst.idx.add.f32.msk @!p1 $0xffff, v0  }
0x140: {  	v1 =	vld @!p1 [tilespmem:$0x16990];
	_ =	sdelay $0x7  }
0x141: {  	[tilespmem:v1+s1+$0x0] =	vst.idx.add.f32.msk @!p1 $0xffff, v0  }
0x142: {  	v1 =	vld @!p1 [tilespmem:$0x169A0];
	_ =	sdelay $0x7  }
0x143: {  	[tilespmem:v1+s1+$0x0] =	vst.idx.add.f32.msk @!p1 $0xffff, v0  }
0x144: {  	v1 =	vld @!p1 [tilespmem:$0x169B0];
	_ =	sdelay $0x7  }
0x145: {  	[tilespmem:v1+s1+$0x0] =	vst.idx.add.f32.msk @!p1 $0xffff, v0  }
0x146: {  	_ =	swait.ge [sflag:s20], $0x2000  }
0x147: {  	p2 =	sgt.u32 s5, $0x9D;
	[sflag:s20] =	ssyncset.done $0x0  }
0x148: {  	s6 =	simm.s32 @!p2 $0x2;
	[sflag:s20] =	ssyncadd.s32 $0xFFFFE000  }
0x149: {  	_ =	swait.ge @!p2 [sflag:s6], $0x100  }
0x14a: {  	s26 =	simm.s32 @!p2 $0x162C0;
	s29 =	simm.s32 @!p2 $0x189C0;
	[sflag:s6] =	ssyncset.done @!p2 $0x0  }
0x14b: {  	p3 =	sgt.u32 @!p2 s5, $0x99;
	[sflag:s6] =	ssyncadd.s32 @!p2 $0xFFFFFF00;
	s6 =	simm.s32 @!p2 $0x80  }
0x14c: {  	[tilespmem:s29], [sflag:$0xA] =	stream.indirect.gather @!p2 [spmem:s3], $0x40, s26, s6, $0xb8;
	[tilespmem:$0x1E9C0] =	vst v63  }
0x14d: {  	p2 =	por p3, p2  }
0x14e: {  	s6 =	sadd.s32 @!p2 s28, s16;
	s26 =	simm.s32 @!p2 $0x0  }
0x14f: {  	s29 =	simm.s32 @!p2 $0x166C0;
	s28 =	sadd.s32 $0x100, s28;
	s6 =	sadd.s32 @!p2 $0x1A0, s6  }
0x150: {  	[tilespmem:s29], [sflag:$0x6] =	stream.linear.gather @!p2 [hbm4b:s6+s26], $0x100, $0x38;
	[tilespmem:$0x1E9C0] =	vst v63  }
0x151: {  	p2 =	sne.s32 s28, $0x1400  }
.Ltmp0:
0x152: {  	_ = 	snop;
	(pc) =	sbr.rel @p2 .LBB2_2-.Ltmp0, $2  }
0x153: {  	_ =	sdelay $0x2  }
0x154: {  	s9 =	sadd.s32 $0x1, s9;
	s5 =	sadd.s32 $0x8, s5  }
0x155: {  	_ =	swait.ge [sflag:s22], $0x2000  }
0x156: {  	[sflag:s22] =	ssyncset.done $0x0  }
0x157: {  	[sflag:s22] =	ssyncadd.s32 $0xFFFFE000  }
0x158: {  	_ =	swait.ge [sflag:s24], $0x2000  }
0x159: {  	[sflag:s24] =	ssyncset.done $0x0  }
0x15a: {  	[sflag:s24] =	ssyncadd.s32 $0xFFFFE000  }
0x15b: {  	[bflag:$0x0] =	sbarrier.arrive $0xFFFF  }
0x15c: {  	s2 =	sld [smem:$0x7FC]  }
0x15d: {  	s5 =	sld [smem:$0x7FD];
	_ =	sdelay $0x1  }
0x15e: {  	s26 =	simm.s32 $0x11;
	s1 =	rddreg [dreg:$0x1a]  }
0x15f: {  	[hbm:s1], [sflag:s2] =	dma.local [spmem:s5], $0x13C0  }
0x160: {  	_ =	swait.ge [sflag:s26], $0x13C0  }
0x161: {  	s1 =	simm.s32 @!p1 $0x0;
	[sflag:s26] =	ssyncset.done $0x0  }
0x162: {  	s5 =	simm.s32 @!p1 $0x13A40;
	s6 =	rddreg [dreg:$0x1b];
	[sflag:s26] =	ssyncadd.s32 $0xFFFFEC40  }
0x163: {  	[hbm4b:s6+s1] =	stream.linear.scatter @!p1 [tilespmem:s5], [sflag:$0x11], $0x2780, $0x38;
	[tilespmem:$0x1E9C0] =	vst v63  }
0x164: {  	s1 =	simm.s32 @!p1 $0x11  }
0x165: {  	_ =	swait.ge @!p1 [sflag:s1], $0x2780  }
0x166: {  	s29 =	rddreg [dreg:$0x1f]  }
0x167: {  	s30 =	rddreg [dreg:$0x1c];
	s29 =	sadd.s32 $0x1, s29  }
0x168: {  	p2 =	sne.s32 s29, s30  }
.Ltmp1:
0x169: {  	_ = 	snop;
	(pc) =	sbr.rel @p2 .LBB2_1-.Ltmp1, $4  }
0x16a: {  	_ = 	snop  }
0x16b: {  	s9 =	simm.s32 $0x166C0  }
0x16c: {  	s28 =	simm.s32 $0x168C0;
	s2 =	simm.s32 $0x165C0;
	[sflag:s1] =	ssyncset.done @!p1 $0x0  }
0x16d: {  	s26 =	simm.s32 $0x167C0;
	s6 =	simm.s32 $0x163C0;
	[sflag:s1] =	ssyncadd.s32 @!p1 $0xFFFFD880  }
0x16e: {  	_ =	sfence.sel $0x180000  }
0x16f: {  	[bflag:$0x0] =	sbarrier.arrive $0xFFFF  }
0x170: {  	_ =	strace $0x90000047  }
0x171: {  	s0 =	stileid.u32;
	[bflag:$0x2] =	sbarrier.arrive $0xFFFF  }
0x172: {  	p0 =	sne.s32 s0, $0x0;
	s0 =	rddreg [dreg:$0x5]  }
0x173: {  	s0 =	sadd.s32 @!p0 $0x100000, s0  }
0x174: {  	[sflag:s0] =	ssyncadd.tile.s32 @!p0 $0x1;
	_ =	shalt  }
.Lfunc_end2:
_tile_overlayer_lowered:
.L_overlay_start_2:
0x175: {  	(tag) =	ssettag $0x2  }
0x176: {  	s0 =	rddreg [dreg:$0x0];
	s2 =	stileid.u32  }
0x177: {  	s1 =	rddreg [dreg:$0x1];
	p0 =	sne.s32 s2, $0x0  }
0x178: {  	s3 =	rddreg [dreg:$0x2];
	[bflag:$0x3] =	sbarrier.arrive $0xFFFF;
	s2 =	simm.s32 @!p0 $0x1C11  }
0x179: {  	[timem:s3], [sflag:s2] =	dma.local @!p0 [hbm:s0], s1  }
0x17a: {  	s0 =	simm.s32 @!p0 $0x11  }
0x17b: {  	_ =	swait.ge @!p0 [sflag:s0], s1  }
0x17c: {  	s1 =	ssub.s32 @!p0 $0x0, s1;
	[sflag:s0] =	ssyncset.done @!p0 $0x0  }
0x17d: {  	[sflag:s0] =	ssyncadd.s32 @!p0 s1  }
0x17e: {  	[bflag:$0x3] =	sbarrier.arrive $0xFFFF  }
0x17f: {  	_ =	shalt  }

</sc_bundles>
